<compile_context>
chip_gen: v7x
topology: tpu7x:2x2x1
jax: 0.10.2.dev20260603
libtpu: 0.0.44.dev20260713+nightly
codegen_flags: <defaults>
</compile_context>

<pallas_src>
import functools

import jax
import jax.numpy as jnp
from jax import lax
from jax.experimental import pallas as pl
from jax.experimental.pallas import tpu as pltpu
from jax.experimental.pallas import tpu_sc as plsc

N = 10000
H = 128
E = 320000
OUT = 10

NC = 2
NS = 16
NW = NC * NS
CH = 128
EPW_RAW = E // NW
CHUNKS = -(-EPW_RAW // CH)
EPW = CHUNKS * CH
ROWS_PER_TILE = 624
ROWS_TAIL = N - NS * ROWS_PER_TILE
NACC = N + 16

NB = 3

BN = 2000


def _sc_agg(x, src_r, dst_r):
  mesh = plsc.VectorSubcoreMesh(core_axis_name="c", subcore_axis_name="s")

  @functools.partial(
      pl.kernel,
      out_type=jax.ShapeDtypeStruct((NC, N, H), jnp.float32),
      mesh=mesh,
      scratch_types=[
          [pltpu.VMEM((CH,), jnp.int32) for _ in range(NB)],
          [pltpu.VMEM((CH,), jnp.int32) for _ in range(NB)],
          [pltpu.VMEM((CH, H), jnp.float32) for _ in range(NB)],
          pltpu.VMEM_SHARED((NACC, H), jnp.float32),
          [pltpu.SemaphoreType.DMA for _ in range(NB)],
          [pltpu.SemaphoreType.DMA for _ in range(NB)],
          [pltpu.SemaphoreType.DMA for _ in range(NB)],
          [pltpu.SemaphoreType.DMA for _ in range(NB)],
      ],
  )
  def agg(x_hbm, src_hbm, dst_hbm, out_hbm, src_bufs, dst_bufs, rows_bufs, acc,
          sem_g, sem_i, sem_d, sem_s):
    c = lax.axis_index("c")
    s = lax.axis_index("s")
    w = c * NS + s
    base = s * ROWS_PER_TILE
    pltpu.sync_copy(x_hbm.at[pl.ds(base, ROWS_PER_TILE)],
                    acc.at[pl.ds(base, ROWS_PER_TILE)])

    @pl.when(s == 0)
    def _seed_tail():
      pltpu.sync_copy(x_hbm.at[pl.ds(NS * ROWS_PER_TILE, ROWS_TAIL)],
                      acc.at[pl.ds(NS * ROWS_PER_TILE, ROWS_TAIL)])
    plsc.subcore_barrier()

    for b in range(NB):
      pltpu.sync_copy(src_hbm.at[w, b, 0], src_bufs[b])
      pltpu.sync_copy(dst_hbm.at[w, b, 0], dst_bufs[b])
      pltpu.async_copy(x_hbm.at[src_bufs[b]], rows_bufs[b], sem_g[b])

    def body(g, carry):
      for b in range(NB):
        i = g * NB + b
        bk = (b - 1) % NB
        pltpu.make_async_copy(x_hbm.at[src_bufs[b]], rows_bufs[b], sem_g[b]).wait()

        @pl.when(i + NB < CHUNKS)
        def _fetch_src():
          pltpu.async_copy(src_hbm.at[w, i + NB, 0], src_bufs[b], sem_i[b])

        @pl.when(i >= NB)
        def _wait_dst():
          pltpu.make_async_copy(dst_hbm.at[w, i, 0], dst_bufs[b], sem_d[b]).wait()

        pltpu.async_copy(rows_bufs[b], acc.at[dst_bufs[b]], sem_s[b], add=True)

        @pl.when(jnp.logical_and(i >= 1, i + NB - 1 < CHUNKS))
        def _next_gather():
          k = i + NB - 1
          pltpu.make_async_copy(rows_bufs[bk], acc.at[dst_bufs[bk]],
                                sem_s[bk]).wait()
          pltpu.async_copy(dst_hbm.at[w, k, 0], dst_bufs[bk], sem_d[bk])
          pltpu.make_async_copy(src_hbm.at[w, k, 0], src_bufs[bk], sem_i[bk]).wait()
          pltpu.async_copy(x_hbm.at[src_bufs[bk]], rows_bufs[bk], sem_g[bk])

      return carry

    lax.fori_loop(0, CHUNKS // NB, body, 0)
    for b in range(CHUNKS - (CHUNKS // NB) * NB):
      i = (CHUNKS // NB) * NB + b
      pltpu.make_async_copy(x_hbm.at[src_bufs[b]], rows_bufs[b], sem_g[b]).wait()
      pltpu.make_async_copy(dst_hbm.at[w, i, 0], dst_bufs[b], sem_d[b]).wait()
      pltpu.async_copy(rows_bufs[b], acc.at[dst_bufs[b]], sem_s[b], add=True)
    for cch in range(CHUNKS - NB, CHUNKS):
      b = cch % NB
      pltpu.make_async_copy(rows_bufs[b], acc.at[dst_bufs[b]],
                            sem_s[b]).wait()
    plsc.subcore_barrier()
    pltpu.sync_copy(acc.at[pl.ds(base, ROWS_PER_TILE)],
                    out_hbm.at[c, pl.ds(base, ROWS_PER_TILE)])

    @pl.when(s == 0)
    def _out_tail():
      pltpu.sync_copy(acc.at[pl.ds(NS * ROWS_PER_TILE, ROWS_TAIL)],
                      out_hbm.at[c, pl.ds(NS * ROWS_PER_TILE, ROWS_TAIL)])

  return agg(x, src_r, dst_r)


def _embed_body(idx_ref, emb_ref, o_ref):
  idx = idx_ref[...]
  oh = (idx == lax.broadcasted_iota(jnp.int32, (BN, 32), 1)).astype(jnp.float32)
  o_ref[...] = jnp.dot(oh, emb_ref[...], preferred_element_type=jnp.float32)


def _embed(x_idx, emb_pad):
  return pl.pallas_call(
      _embed_body,
      grid=(N // BN,),
      in_specs=[
          pl.BlockSpec((BN, 1), lambda i: (i, 0)),
          pl.BlockSpec((32, H), lambda i: (0, 0)),
      ],
      out_specs=pl.BlockSpec((BN, H), lambda i: (i, 0)),
      out_shape=jax.ShapeDtypeStruct((N, H), jnp.float32),
  )(x_idx.reshape(N, 1), emb_pad)


def _mlp_body(p_ref, x_ref, w1t_ref, b1_ref, w2t_ref, b2_ref, em1_ref, o_ref):
  z = p_ref[0] + p_ref[1] + em1_ref[...] * x_ref[...]
  h = jnp.dot(z, w1t_ref[...], preferred_element_type=jnp.float32) + b1_ref[...]
  h = jnp.dot(h, w2t_ref[...], preferred_element_type=jnp.float32) + b2_ref[...]
  o_ref[...] = jnp.maximum(h, 0.0)


_W_SPECS = [
    pl.BlockSpec((H, H), lambda i: (0, 0)),
    pl.BlockSpec((1, H), lambda i: (0, 0)),
    pl.BlockSpec((H, H), lambda i: (0, 0)),
    pl.BlockSpec((1, H), lambda i: (0, 0)),
    pl.BlockSpec((1, H), lambda i: (0, 0)),
]


def _mlp(partials, x, w1t, b1, w2t, b2, em1):
  return pl.pallas_call(
      _mlp_body,
      grid=(N // BN,),
      in_specs=[
          pl.BlockSpec((NC, BN, H), lambda i: (0, i, 0)),
          pl.BlockSpec((BN, H), lambda i: (i, 0)),
      ] + _W_SPECS,
      out_specs=pl.BlockSpec((BN, H), lambda i: (i, 0)),
      out_shape=jax.ShapeDtypeStruct((N, H), jnp.float32),
  )(partials, x, w1t, b1, w2t, b2, em1)


def _mlp_proj_body(p_ref, x_ref, w1t_ref, b1_ref, w2t_ref, b2_ref, em1_ref,
                   wpt_ref, bp_ref, x_out, y_out):
  z = p_ref[0] + p_ref[1] + em1_ref[...] * x_ref[...]
  h = jnp.dot(z, w1t_ref[...], preferred_element_type=jnp.float32) + b1_ref[...]
  h = jnp.dot(h, w2t_ref[...], preferred_element_type=jnp.float32) + b2_ref[...]
  h = jnp.maximum(h, 0.0)
  x_out[...] = h
  y_out[...] = jnp.dot(h, wpt_ref[...], preferred_element_type=jnp.float32) + bp_ref[...]


def _mlp_proj(partials, x, w1t, b1, w2t, b2, em1, wpt, bp):
  return pl.pallas_call(
      _mlp_proj_body,
      grid=(N // BN,),
      in_specs=[
          pl.BlockSpec((NC, BN, H), lambda i: (0, i, 0)),
          pl.BlockSpec((BN, H), lambda i: (i, 0)),
      ] + _W_SPECS + [
          pl.BlockSpec((H, H), lambda i: (0, 0)),
          pl.BlockSpec((1, H), lambda i: (0, 0)),
      ],
      out_specs=[
          pl.BlockSpec((BN, H), lambda i: (i, 0)),
          pl.BlockSpec((BN, H), lambda i: (i, 0)),
      ],
      out_shape=[
          jax.ShapeDtypeStruct((N, H), jnp.float32),
          jax.ShapeDtypeStruct((N, H), jnp.float32),
      ],
  )(partials, x, w1t, b1, w2t, b2, em1, wpt, bp)


def kernel(x_idx, edge_index, embed, W1_0, b1_0, W2_0, b2_0,
           W1_1, b1_1, W2_1, b2_1, eps, Wp, bp):
  x_idx32 = x_idx.astype(jnp.int32)
  ei = edge_index.astype(jnp.int32)
  pad_w = EPW - EPW_RAW
  src_p = jnp.pad(ei[0].reshape(NW, EPW_RAW), ((0, 0), (0, pad_w)))
  dst_pad = N + (jnp.arange(pad_w, dtype=jnp.int32) % 16)
  dst_p = jnp.concatenate(
      [ei[1].reshape(NW, EPW_RAW), jnp.broadcast_to(dst_pad, (NW, pad_w))], axis=1)
  src_r = src_p.reshape(NW, CHUNKS, 1, CH)
  dst_r = dst_p.reshape(NW, CHUNKS, 1, CH)

  emb_pad = jnp.zeros((32, H), jnp.float32).at[:28].set(embed)
  w1t_0, w2t_0 = W1_0.T, W2_0.T
  w1t_1, w2t_1 = W1_1.T, W2_1.T
  b1_0r, b2_0r = b1_0.reshape(1, H), b2_0.reshape(1, H)
  b1_1r, b2_1r = b1_1.reshape(1, H), b2_1.reshape(1, H)
  em1_0 = jnp.broadcast_to(eps[0] - 1.0, (1, H)).astype(jnp.float32)
  em1_1 = jnp.broadcast_to(eps[1] - 1.0, (1, H)).astype(jnp.float32)
  wpt = jnp.zeros((H, H), jnp.float32).at[:OUT].set(Wp).T
  bp_pad = jnp.zeros((1, H), jnp.float32).at[0, :OUT].set(bp)

  x0 = _embed(x_idx32, emb_pad)
  p1 = _sc_agg(x0, src_r, dst_r)
  x1 = _mlp(p1, x0, w1t_0, b1_0r, w2t_0, b2_0r, em1_0)
  p2 = _sc_agg(x1, src_r, dst_r)
  x2, y_pad = _mlp_proj(p2, x1, w1t_1, b1_1r, w2t_1, b2_1r, em1_1, wpt, bp_pad)
  return (y_pad[:, :OUT], x2)

# --- scband reference (transcript-rebuilt; emitter-appended) ---
"""Pipeline reference for scband-gin-60868276519674 (READ-ONLY COPY).

The authoritative reference and input builder live on the scoring server;
editing this copy changes nothing except your own understanding.
"""

import jax, jax.numpy as jnp
import numpy as np

N = 10000
E = 320000
H = 128
OUT = 10


def setup_inputs(seed: int = 0) -> dict:
    key = jax.random.key(seed)
    ks = jax.random.split(key, 12)
    x_idx = jax.random.randint(ks[0], (N,), 0, 28)
    edge_index = jax.random.randint(ks[1], (2, E), 0, N)
    embed = jax.random.normal(ks[2], (28, H), dtype=jnp.float32) * 0.1
    s = 1.0 / np.sqrt(H)
    W1_0 = jax.random.normal(ks[3], (H, H), dtype=jnp.float32) * s
    b1_0 = jnp.zeros((H,), dtype=jnp.float32)
    W2_0 = jax.random.normal(ks[4], (H, H), dtype=jnp.float32) * s
    b2_0 = jnp.zeros((H,), dtype=jnp.float32)
    W1_1 = jax.random.normal(ks[5], (H, H), dtype=jnp.float32) * s
    b1_1 = jnp.zeros((H,), dtype=jnp.float32)
    W2_1 = jax.random.normal(ks[6], (H, H), dtype=jnp.float32) * s
    b2_1 = jnp.zeros((H,), dtype=jnp.float32)
    eps = jnp.zeros((2,), dtype=jnp.float32)
    Wp = jax.random.normal(ks[7], (OUT, H), dtype=jnp.float32) * s
    bp = jnp.zeros((OUT,), dtype=jnp.float32)
    return {
        "x_idx": x_idx,
        "edge_index": edge_index,
        "embed": embed,
        "W1_0": W1_0, "b1_0": b1_0, "W2_0": W2_0, "b2_0": b2_0,
        "W1_1": W1_1, "b1_1": b1_1, "W2_1": W2_1, "b2_1": b2_1,
        "eps": eps,
        "Wp": Wp, "bp": bp,
    }


def reference(x_idx, edge_index, embed, W1_0, b1_0, W2_0, b2_0, W1_1, b1_1, W2_1, b2_1, eps, Wp, bp):
    # embed_x (molecular=True): Embedding lookup over 28 atom types
    x = jnp.take(embed, x_idx, axis=0)
    src = edge_index[0]
    dst = edge_index[1]
    layers = [(W1_0, b1_0, W2_0, b2_0, eps[0]), (W1_1, b1_1, W2_1, b2_1, eps[1])]
    for (W1, b1, W2, b2, e) in layers:
        # torch.sparse.mm(adj, x): gather source features, scatter-add by dst
        agg = jax.ops.segment_sum(x[src], dst, num_segments=N)
        x = agg + (1.0 + e) * x
        x = x @ W1.T + b1
        x = x @ W2.T + b2
        x = jax.nn.relu(x)
    y_hat = x @ Wp.T + bp
    return (y_hat, x)

if __name__ == "__main__":
    import jax
    _d = setup_inputs()
    print(jax.jit(kernel)(*tuple(_d.values())))

</pallas_src>

<mosaic_0001>
#map = affine_map<(d0, d1) -> (0, 0)>
#map1 = affine_map<(d0, d1) -> (0, 0, 0, 0)>
#map2 = affine_map<(d0, d1) -> (0, 0, 0)>
module attributes {stable_mosaic.version = 14 : i64} {
  func.func @agg(%arg0: i32, %arg1: i32, %arg2: memref<10000x128xf32, #tpu.memory_space<hbm>>, %arg3: memref<32x79x1x128xi32, #tpu.memory_space<hbm>>, %arg4: memref<32x79x1x128xi32, #tpu.memory_space<hbm>>, %arg5: memref<2x10000x128xf32, #tpu.memory_space<hbm>>, %arg6: memref<128xi32, #tpu.memory_space<vmem>>, %arg7: memref<128xi32, #tpu.memory_space<vmem>>, %arg8: memref<128xi32, #tpu.memory_space<vmem>>, %arg9: memref<128xi32, #tpu.memory_space<vmem>>, %arg10: memref<128xi32, #tpu.memory_space<vmem>>, %arg11: memref<128xi32, #tpu.memory_space<vmem>>, %arg12: memref<128x128xf32, #tpu.memory_space<vmem>>, %arg13: memref<128x128xf32, #tpu.memory_space<vmem>>, %arg14: memref<128x128xf32, #tpu.memory_space<vmem>>, %arg15: memref<10016x128xf32, #tpu.memory_space<vmem_shared>>, %arg16: memref<!tpu.dma_semaphore, #tpu.memory_space<semaphore_mem>>, %arg17: memref<!tpu.dma_semaphore, #tpu.memory_space<semaphore_mem>>, %arg18: memref<!tpu.dma_semaphore, #tpu.memory_space<semaphore_mem>>, %arg19: memref<!tpu.dma_semaphore, #tpu.memory_space<semaphore_mem>>, %arg20: memref<!tpu.dma_semaphore, #tpu.memory_space<semaphore_mem>>, %arg21: memref<!tpu.dma_semaphore, #tpu.memory_space<semaphore_mem>>, %arg22: memref<!tpu.dma_semaphore, #tpu.memory_space<semaphore_mem>>, %arg23: memref<!tpu.dma_semaphore, #tpu.memory_space<semaphore_mem>>, %arg24: memref<!tpu.dma_semaphore, #tpu.memory_space<semaphore_mem>>, %arg25: memref<!tpu.dma_semaphore, #tpu.memory_space<semaphore_mem>>, %arg26: memref<!tpu.dma_semaphore, #tpu.memory_space<semaphore_mem>>, %arg27: memref<!tpu.dma_semaphore, #tpu.memory_space<semaphore_mem>>) attributes {dimension_semantics = [#tpu.dimension_semantics<core_parallel>, #tpu.dimension_semantics<subcore_parallel>], iteration_bounds = array<i64: 2, 16>, scalar_prefetch = 0 : i64, scratch_operands = 22 : i64, tpu.core_type = #tpu.core_type<sc_vector_subcore>, window_params = [{transform_indices = #map}, {transform_indices = #map1}, {transform_indices = #map1}, {transform_indices = #map2}]} {
    %mul3A = arith.constant 16 : i32
    %mul3A_0 = arith.muli %arg0, %mul3A : i32
    %add3A = arith.addi %mul3A_0, %arg1 : i32
    %mul3A_1 = arith.constant 624 : i32
    %mul3A_2 = arith.muli %arg1, %mul3A_1 : i32
    "tpu.region"() ({
      %run_scoped3A_57 = tpu.sem_alloc : memref<!tpu.dma_semaphore, #tpu.memory_space<semaphore_mem>>
      %dma_start3A_58 = arith.constant 0 : i32
      %dma_start3A_59 = tpu.memref_slice %arg15[%mul3A_2, %dma_start3A_58] : memref<10016x128xf32, #tpu.memory_space<vmem_shared>> -> memref<624x128xf32, #tpu.memory_space<vmem_shared>>
      %dma_start3A_60 = arith.constant 0 : i32
      %dma_start3A_61 = tpu.memref_slice %arg2[%mul3A_2, %dma_start3A_60] : memref<10000x128xf32, #tpu.memory_space<hbm>> -> memref<624x128xf32, #tpu.memory_space<hbm>>
      tpu.enqueue_dma source(%dma_start3A_61 : memref<624x128xf32, #tpu.memory_space<hbm>>) target(%dma_start3A_59 : memref<624x128xf32, #tpu.memory_space<vmem_shared>>) target_semaphore(%run_scoped3A_57 : memref<!tpu.dma_semaphore, #tpu.memory_space<semaphore_mem>>)
      %dma_wait3A_62 = arith.constant 0 : i32
      %dma_wait3A_63 = tpu.memref_slice %arg15[%mul3A_2, %dma_wait3A_62] : memref<10016x128xf32, #tpu.memory_space<vmem_shared>> -> memref<624x128xf32, #tpu.memory_space<vmem_shared>>
      %dma_wait3A_64 = arith.constant 0 : i32
      %dma_wait3A_65 = tpu.memref_slice %arg2[%mul3A_2, %dma_wait3A_64] : memref<10000x128xf32, #tpu.memory_space<hbm>> -> memref<624x128xf32, #tpu.memory_space<hbm>>
      tpu.wait_dma2 semaphore(%run_scoped3A_57 : memref<!tpu.dma_semaphore, #tpu.memory_space<semaphore_mem>>) src(%dma_wait3A_65 : memref<624x128xf32, #tpu.memory_space<hbm>>) dst(%dma_wait3A_63 : memref<624x128xf32, #tpu.memory_space<vmem_shared>>)
      tpu.yield
    }) : () -> ()
    %eq3A = arith.constant 0 : i32
    %eq3A_3 = arith.cmpi eq, %arg1, %eq3A : i32
    %convert_element_type3A = arith.extui %eq3A_3 : i1 to i32
    %cond3A = arith.constant 0 : i32
    %cond3A_4 = arith.cmpi ne, %convert_element_type3A, %cond3A : i32
    scf.if %cond3A_4 {
      "tpu.region"() ({
        %run_scoped3A_57 = tpu.sem_alloc : memref<!tpu.dma_semaphore, #tpu.memory_space<semaphore_mem>>
        %dma_start3A_58 = arith.constant 9984 : i32
        %dma_start3A_59 = arith.constant 0 : i32
        %dma_start3A_60 = tpu.memref_slice %arg15[%dma_start3A_58, %dma_start3A_59] : memref<10016x128xf32, #tpu.memory_space<vmem_shared>> -> memref<16x128xf32, #tpu.memory_space<vmem_shared>>
        %dma_start3A_61 = arith.constant 9984 : i32
        %dma_start3A_62 = arith.constant 0 : i32
        %dma_start3A_63 = tpu.memref_slice %arg2[%dma_start3A_61, %dma_start3A_62] : memref<10000x128xf32, #tpu.memory_space<hbm>> -> memref<16x128xf32, #tpu.memory_space<hbm>>
        tpu.enqueue_dma source(%dma_start3A_63 : memref<16x128xf32, #tpu.memory_space<hbm>>) target(%dma_start3A_60 : memref<16x128xf32, #tpu.memory_space<vmem_shared>>) target_semaphore(%run_scoped3A_57 : memref<!tpu.dma_semaphore, #tpu.memory_space<semaphore_mem>>)
        %dma_wait3A_64 = arith.constant 9984 : i32
        %dma_wait3A_65 = arith.constant 0 : i32
        %dma_wait3A_66 = tpu.memref_slice %arg15[%dma_wait3A_64, %dma_wait3A_65] : memref<10016x128xf32, #tpu.memory_space<vmem_shared>> -> memref<16x128xf32, #tpu.memory_space<vmem_shared>>
        %dma_wait3A_67 = arith.constant 9984 : i32
        %dma_wait3A_68 = arith.constant 0 : i32
        %dma_wait3A_69 = tpu.memref_slice %arg2[%dma_wait3A_67, %dma_wait3A_68] : memref<10000x128xf32, #tpu.memory_space<hbm>> -> memref<16x128xf32, #tpu.memory_space<hbm>>
        tpu.wait_dma2 semaphore(%run_scoped3A_57 : memref<!tpu.dma_semaphore, #tpu.memory_space<semaphore_mem>>) src(%dma_wait3A_69 : memref<16x128xf32, #tpu.memory_space<hbm>>) dst(%dma_wait3A_66 : memref<16x128xf32, #tpu.memory_space<vmem_shared>>)
        tpu.yield
      }) : () -> ()
    } else {
    }
    %barrier3A = arith.constant 0 : index
    tpu.barrier barrier_id(%barrier3A)
    %run_scoped3A = arith.constant 0 : i32
    %run_scoped3A_5 = arith.constant 0 : i32
    "tpu.region"() ({
      %run_scoped3A_57 = tpu.sem_alloc : memref<!tpu.dma_semaphore, #tpu.memory_space<semaphore_mem>>
      %dma_start3A_58 = arith.constant 0 : i32
      %dma_start3A_59 = tpu.memref_slice %arg3[%add3A, %run_scoped3A, %run_scoped3A_5, %dma_start3A_58] : memref<32x79x1x128xi32, #tpu.memory_space<hbm>> -> memref<1x1x1x128xi32, #tpu.memory_space<hbm>>
      %dma_start3A_60 = tpu.memref_squeeze %dma_start3A_59 : memref<1x1x1x128xi32, #tpu.memory_space<hbm>> -> memref<128xi32, #tpu.memory_space<hbm>>
      %dma_start3A_61 = arith.constant 0 : i32
      %dma_start3A_62 = tpu.memref_slice %arg3[%add3A, %run_scoped3A, %run_scoped3A_5, %dma_start3A_61] : memref<32x79x1x128xi32, #tpu.memory_space<hbm>> -> memref<1x1x1x128xi32, #tpu.memory_space<hbm>>
      %dma_start3A_63 = tpu.memref_squeeze %dma_start3A_62 : memref<1x1x1x128xi32, #tpu.memory_space<hbm>> -> memref<128xi32, #tpu.memory_space<hbm>>
      tpu.enqueue_dma source(%dma_start3A_63 : memref<128xi32, #tpu.memory_space<hbm>>) target(%arg6 : memref<128xi32, #tpu.memory_space<vmem>>) target_semaphore(%run_scoped3A_57 : memref<!tpu.dma_semaphore, #tpu.memory_space<semaphore_mem>>)
      %dma_wait3A_64 = arith.constant 0 : i32
      %dma_wait3A_65 = tpu.memref_slice %arg3[%add3A, %run_scoped3A, %run_scoped3A_5, %dma_wait3A_64] : memref<32x79x1x128xi32, #tpu.memory_space<hbm>> -> memref<1x1x1x128xi32, #tpu.memory_space<hbm>>
      %dma_wait3A_66 = tpu.memref_squeeze %dma_wait3A_65 : memref<1x1x1x128xi32, #tpu.memory_space<hbm>> -> memref<128xi32, #tpu.memory_space<hbm>>
      %dma_wait3A_67 = arith.constant 0 : i32
      %dma_wait3A_68 = tpu.memref_slice %arg3[%add3A, %run_scoped3A, %run_scoped3A_5, %dma_wait3A_67] : memref<32x79x1x128xi32, #tpu.memory_space<hbm>> -> memref<1x1x1x128xi32, #tpu.memory_space<hbm>>
      %dma_wait3A_69 = tpu.memref_squeeze %dma_wait3A_68 : memref<1x1x1x128xi32, #tpu.memory_space<hbm>> -> memref<128xi32, #tpu.memory_space<hbm>>
      tpu.wait_dma2 semaphore(%run_scoped3A_57 : memref<!tpu.dma_semaphore, #tpu.memory_space<semaphore_mem>>) src(%dma_wait3A_69 : memref<128xi32, #tpu.memory_space<hbm>>) dst(%arg6 : memref<128xi32, #tpu.memory_space<vmem>>)
      tpu.yield
    }) : () -> ()
    %run_scoped3A_6 = arith.constant 0 : i32
    %run_scoped3A_7 = arith.constant 0 : i32
    "tpu.region"() ({
      %run_scoped3A_57 = tpu.sem_alloc : memref<!tpu.dma_semaphore, #tpu.memory_space<semaphore_mem>>
      %dma_start3A_58 = arith.constant 0 : i32
      %dma_start3A_59 = tpu.memref_slice %arg4[%add3A, %run_scoped3A_6, %run_scoped3A_7, %dma_start3A_58] : memref<32x79x1x128xi32, #tpu.memory_space<hbm>> -> memref<1x1x1x128xi32, #tpu.memory_space<hbm>>
      %dma_start3A_60 = tpu.memref_squeeze %dma_start3A_59 : memref<1x1x1x128xi32, #tpu.memory_space<hbm>> -> memref<128xi32, #tpu.memory_space<hbm>>
      %dma_start3A_61 = arith.constant 0 : i32
      %dma_start3A_62 = tpu.memref_slice %arg4[%add3A, %run_scoped3A_6, %run_scoped3A_7, %dma_start3A_61] : memref<32x79x1x128xi32, #tpu.memory_space<hbm>> -> memref<1x1x1x128xi32, #tpu.memory_space<hbm>>
      %dma_start3A_63 = tpu.memref_squeeze %dma_start3A_62 : memref<1x1x1x128xi32, #tpu.memory_space<hbm>> -> memref<128xi32, #tpu.memory_space<hbm>>
      tpu.enqueue_dma source(%dma_start3A_63 : memref<128xi32, #tpu.memory_space<hbm>>) target(%arg9 : memref<128xi32, #tpu.memory_space<vmem>>) target_semaphore(%run_scoped3A_57 : memref<!tpu.dma_semaphore, #tpu.memory_space<semaphore_mem>>)
      %dma_wait3A_64 = arith.constant 0 : i32
      %dma_wait3A_65 = tpu.memref_slice %arg4[%add3A, %run_scoped3A_6, %run_scoped3A_7, %dma_wait3A_64] : memref<32x79x1x128xi32, #tpu.memory_space<hbm>> -> memref<1x1x1x128xi32, #tpu.memory_space<hbm>>
      %dma_wait3A_66 = tpu.memref_squeeze %dma_wait3A_65 : memref<1x1x1x128xi32, #tpu.memory_space<hbm>> -> memref<128xi32, #tpu.memory_space<hbm>>
      %dma_wait3A_67 = arith.constant 0 : i32
      %dma_wait3A_68 = tpu.memref_slice %arg4[%add3A, %run_scoped3A_6, %run_scoped3A_7, %dma_wait3A_67] : memref<32x79x1x128xi32, #tpu.memory_space<hbm>> -> memref<1x1x1x128xi32, #tpu.memory_space<hbm>>
      %dma_wait3A_69 = tpu.memref_squeeze %dma_wait3A_68 : memref<1x1x1x128xi32, #tpu.memory_space<hbm>> -> memref<128xi32, #tpu.memory_space<hbm>>
      tpu.wait_dma2 semaphore(%run_scoped3A_57 : memref<!tpu.dma_semaphore, #tpu.memory_space<semaphore_mem>>) src(%dma_wait3A_69 : memref<128xi32, #tpu.memory_space<hbm>>) dst(%arg9 : memref<128xi32, #tpu.memory_space<vmem>>)
      tpu.yield
    }) : () -> ()
    %dma_start3A = arith.constant 0 : i32
    %dma_start3A_8 = arith.constant 0 : i32
    %dma_start3A_9 = tpu.memref_slice %arg2[%dma_start3A, %dma_start3A_8] : memref<10000x128xf32, #tpu.memory_space<hbm>> -> memref<10000x128xf32, #tpu.memory_space<hbm>>
    tpu.enqueue_indirect_dma source(%dma_start3A_9 : memref<10000x128xf32, #tpu.memory_space<hbm>>) target(%arg12 : memref<128x128xf32, #tpu.memory_space<vmem>>) offsets(%arg6 : memref<128xi32, #tpu.memory_space<vmem>>) semaphore(%arg16 : memref<!tpu.dma_semaphore, #tpu.memory_space<semaphore_mem>>)
    %run_scoped3A_10 = arith.constant 1 : i32
    %run_scoped3A_11 = arith.constant 0 : i32
    "tpu.region"() ({
      %run_scoped3A_57 = tpu.sem_alloc : memref<!tpu.dma_semaphore, #tpu.memory_space<semaphore_mem>>
      %dma_start3A_58 = arith.constant 0 : i32
      %dma_start3A_59 = tpu.memref_slice %arg3[%add3A, %run_scoped3A_10, %run_scoped3A_11, %dma_start3A_58] : memref<32x79x1x128xi32, #tpu.memory_space<hbm>> -> memref<1x1x1x128xi32, #tpu.memory_space<hbm>>
      %dma_start3A_60 = tpu.memref_squeeze %dma_start3A_59 : memref<1x1x1x128xi32, #tpu.memory_space<hbm>> -> memref<128xi32, #tpu.memory_space<hbm>>
      %dma_start3A_61 = arith.constant 0 : i32
      %dma_start3A_62 = tpu.memref_slice %arg3[%add3A, %run_scoped3A_10, %run_scoped3A_11, %dma_start3A_61] : memref<32x79x1x128xi32, #tpu.memory_space<hbm>> -> memref<1x1x1x128xi32, #tpu.memory_space<hbm>>
      %dma_start3A_63 = tpu.memref_squeeze %dma_start3A_62 : memref<1x1x1x128xi32, #tpu.memory_space<hbm>> -> memref<128xi32, #tpu.memory_space<hbm>>
      tpu.enqueue_dma source(%dma_start3A_63 : memref<128xi32, #tpu.memory_space<hbm>>) target(%arg7 : memref<128xi32, #tpu.memory_space<vmem>>) target_semaphore(%run_scoped3A_57 : memref<!tpu.dma_semaphore, #tpu.memory_space<semaphore_mem>>)
      %dma_wait3A_64 = arith.constant 0 : i32
      %dma_wait3A_65 = tpu.memref_slice %arg3[%add3A, %run_scoped3A_10, %run_scoped3A_11, %dma_wait3A_64] : memref<32x79x1x128xi32, #tpu.memory_space<hbm>> -> memref<1x1x1x128xi32, #tpu.memory_space<hbm>>
      %dma_wait3A_66 = tpu.memref_squeeze %dma_wait3A_65 : memref<1x1x1x128xi32, #tpu.memory_space<hbm>> -> memref<128xi32, #tpu.memory_space<hbm>>
      %dma_wait3A_67 = arith.constant 0 : i32
      %dma_wait3A_68 = tpu.memref_slice %arg3[%add3A, %run_scoped3A_10, %run_scoped3A_11, %dma_wait3A_67] : memref<32x79x1x128xi32, #tpu.memory_space<hbm>> -> memref<1x1x1x128xi32, #tpu.memory_space<hbm>>
      %dma_wait3A_69 = tpu.memref_squeeze %dma_wait3A_68 : memref<1x1x1x128xi32, #tpu.memory_space<hbm>> -> memref<128xi32, #tpu.memory_space<hbm>>
      tpu.wait_dma2 semaphore(%run_scoped3A_57 : memref<!tpu.dma_semaphore, #tpu.memory_space<semaphore_mem>>) src(%dma_wait3A_69 : memref<128xi32, #tpu.memory_space<hbm>>) dst(%arg7 : memref<128xi32, #tpu.memory_space<vmem>>)
      tpu.yield
    }) : () -> ()
    %run_scoped3A_12 = arith.constant 1 : i32
    %run_scoped3A_13 = arith.constant 0 : i32
    "tpu.region"() ({
      %run_scoped3A_57 = tpu.sem_alloc : memref<!tpu.dma_semaphore, #tpu.memory_space<semaphore_mem>>
      %dma_start3A_58 = arith.constant 0 : i32
      %dma_start3A_59 = tpu.memref_slice %arg4[%add3A, %run_scoped3A_12, %run_scoped3A_13, %dma_start3A_58] : memref<32x79x1x128xi32, #tpu.memory_space<hbm>> -> memref<1x1x1x128xi32, #tpu.memory_space<hbm>>
      %dma_start3A_60 = tpu.memref_squeeze %dma_start3A_59 : memref<1x1x1x128xi32, #tpu.memory_space<hbm>> -> memref<128xi32, #tpu.memory_space<hbm>>
      %dma_start3A_61 = arith.constant 0 : i32
      %dma_start3A_62 = tpu.memref_slice %arg4[%add3A, %run_scoped3A_12, %run_scoped3A_13, %dma_start3A_61] : memref<32x79x1x128xi32, #tpu.memory_space<hbm>> -> memref<1x1x1x128xi32, #tpu.memory_space<hbm>>
      %dma_start3A_63 = tpu.memref_squeeze %dma_start3A_62 : memref<1x1x1x128xi32, #tpu.memory_space<hbm>> -> memref<128xi32, #tpu.memory_space<hbm>>
      tpu.enqueue_dma source(%dma_start3A_63 : memref<128xi32, #tpu.memory_space<hbm>>) target(%arg10 : memref<128xi32, #tpu.memory_space<vmem>>) target_semaphore(%run_scoped3A_57 : memref<!tpu.dma_semaphore, #tpu.memory_space<semaphore_mem>>)
      %dma_wait3A_64 = arith.constant 0 : i32
      %dma_wait3A_65 = tpu.memref_slice %arg4[%add3A, %run_scoped3A_12, %run_scoped3A_13, %dma_wait3A_64] : memref<32x79x1x128xi32, #tpu.memory_space<hbm>> -> memref<1x1x1x128xi32, #tpu.memory_space<hbm>>
      %dma_wait3A_66 = tpu.memref_squeeze %dma_wait3A_65 : memref<1x1x1x128xi32, #tpu.memory_space<hbm>> -> memref<128xi32, #tpu.memory_space<hbm>>
      %dma_wait3A_67 = arith.constant 0 : i32
      %dma_wait3A_68 = tpu.memref_slice %arg4[%add3A, %run_scoped3A_12, %run_scoped3A_13, %dma_wait3A_67] : memref<32x79x1x128xi32, #tpu.memory_space<hbm>> -> memref<1x1x1x128xi32, #tpu.memory_space<hbm>>
      %dma_wait3A_69 = tpu.memref_squeeze %dma_wait3A_68 : memref<1x1x1x128xi32, #tpu.memory_space<hbm>> -> memref<128xi32, #tpu.memory_space<hbm>>
      tpu.wait_dma2 semaphore(%run_scoped3A_57 : memref<!tpu.dma_semaphore, #tpu.memory_space<semaphore_mem>>) src(%dma_wait3A_69 : memref<128xi32, #tpu.memory_space<hbm>>) dst(%arg10 : memref<128xi32, #tpu.memory_space<vmem>>)
      tpu.yield
    }) : () -> ()
    %dma_start3A_14 = arith.constant 0 : i32
    %dma_start3A_15 = arith.constant 0 : i32
    %dma_start3A_16 = tpu.memref_slice %arg2[%dma_start3A_14, %dma_start3A_15] : memref<10000x128xf32, #tpu.memory_space<hbm>> -> memref<10000x128xf32, #tpu.memory_space<hbm>>
    tpu.enqueue_indirect_dma source(%dma_start3A_16 : memref<10000x128xf32, #tpu.memory_space<hbm>>) target(%arg13 : memref<128x128xf32, #tpu.memory_space<vmem>>) offsets(%arg7 : memref<128xi32, #tpu.memory_space<vmem>>) semaphore(%arg17 : memref<!tpu.dma_semaphore, #tpu.memory_space<semaphore_mem>>)
    %run_scoped3A_17 = arith.constant 2 : i32
    %run_scoped3A_18 = arith.constant 0 : i32
    "tpu.region"() ({
      %run_scoped3A_57 = tpu.sem_alloc : memref<!tpu.dma_semaphore, #tpu.memory_space<semaphore_mem>>
      %dma_start3A_58 = arith.constant 0 : i32
      %dma_start3A_59 = tpu.memref_slice %arg3[%add3A, %run_scoped3A_17, %run_scoped3A_18, %dma_start3A_58] : memref<32x79x1x128xi32, #tpu.memory_space<hbm>> -> memref<1x1x1x128xi32, #tpu.memory_space<hbm>>
      %dma_start3A_60 = tpu.memref_squeeze %dma_start3A_59 : memref<1x1x1x128xi32, #tpu.memory_space<hbm>> -> memref<128xi32, #tpu.memory_space<hbm>>
      %dma_start3A_61 = arith.constant 0 : i32
      %dma_start3A_62 = tpu.memref_slice %arg3[%add3A, %run_scoped3A_17, %run_scoped3A_18, %dma_start3A_61] : memref<32x79x1x128xi32, #tpu.memory_space<hbm>> -> memref<1x1x1x128xi32, #tpu.memory_space<hbm>>
      %dma_start3A_63 = tpu.memref_squeeze %dma_start3A_62 : memref<1x1x1x128xi32, #tpu.memory_space<hbm>> -> memref<128xi32, #tpu.memory_space<hbm>>
      tpu.enqueue_dma source(%dma_start3A_63 : memref<128xi32, #tpu.memory_space<hbm>>) target(%arg8 : memref<128xi32, #tpu.memory_space<vmem>>) target_semaphore(%run_scoped3A_57 : memref<!tpu.dma_semaphore, #tpu.memory_space<semaphore_mem>>)
      %dma_wait3A_64 = arith.constant 0 : i32
      %dma_wait3A_65 = tpu.memref_slice %arg3[%add3A, %run_scoped3A_17, %run_scoped3A_18, %dma_wait3A_64] : memref<32x79x1x128xi32, #tpu.memory_space<hbm>> -> memref<1x1x1x128xi32, #tpu.memory_space<hbm>>
      %dma_wait3A_66 = tpu.memref_squeeze %dma_wait3A_65 : memref<1x1x1x128xi32, #tpu.memory_space<hbm>> -> memref<128xi32, #tpu.memory_space<hbm>>
      %dma_wait3A_67 = arith.constant 0 : i32
      %dma_wait3A_68 = tpu.memref_slice %arg3[%add3A, %run_scoped3A_17, %run_scoped3A_18, %dma_wait3A_67] : memref<32x79x1x128xi32, #tpu.memory_space<hbm>> -> memref<1x1x1x128xi32, #tpu.memory_space<hbm>>
      %dma_wait3A_69 = tpu.memref_squeeze %dma_wait3A_68 : memref<1x1x1x128xi32, #tpu.memory_space<hbm>> -> memref<128xi32, #tpu.memory_space<hbm>>
      tpu.wait_dma2 semaphore(%run_scoped3A_57 : memref<!tpu.dma_semaphore, #tpu.memory_space<semaphore_mem>>) src(%dma_wait3A_69 : memref<128xi32, #tpu.memory_space<hbm>>) dst(%arg8 : memref<128xi32, #tpu.memory_space<vmem>>)
      tpu.yield
    }) : () -> ()
    %run_scoped3A_19 = arith.constant 2 : i32
    %run_scoped3A_20 = arith.constant 0 : i32
    "tpu.region"() ({
      %run_scoped3A_57 = tpu.sem_alloc : memref<!tpu.dma_semaphore, #tpu.memory_space<semaphore_mem>>
      %dma_start3A_58 = arith.constant 0 : i32
      %dma_start3A_59 = tpu.memref_slice %arg4[%add3A, %run_scoped3A_19, %run_scoped3A_20, %dma_start3A_58] : memref<32x79x1x128xi32, #tpu.memory_space<hbm>> -> memref<1x1x1x128xi32, #tpu.memory_space<hbm>>
      %dma_start3A_60 = tpu.memref_squeeze %dma_start3A_59 : memref<1x1x1x128xi32, #tpu.memory_space<hbm>> -> memref<128xi32, #tpu.memory_space<hbm>>
      %dma_start3A_61 = arith.constant 0 : i32
      %dma_start3A_62 = tpu.memref_slice %arg4[%add3A, %run_scoped3A_19, %run_scoped3A_20, %dma_start3A_61] : memref<32x79x1x128xi32, #tpu.memory_space<hbm>> -> memref<1x1x1x128xi32, #tpu.memory_space<hbm>>
      %dma_start3A_63 = tpu.memref_squeeze %dma_start3A_62 : memref<1x1x1x128xi32, #tpu.memory_space<hbm>> -> memref<128xi32, #tpu.memory_space<hbm>>
      tpu.enqueue_dma source(%dma_start3A_63 : memref<128xi32, #tpu.memory_space<hbm>>) target(%arg11 : memref<128xi32, #tpu.memory_space<vmem>>) target_semaphore(%run_scoped3A_57 : memref<!tpu.dma_semaphore, #tpu.memory_space<semaphore_mem>>)
      %dma_wait3A_64 = arith.constant 0 : i32
      %dma_wait3A_65 = tpu.memref_slice %arg4[%add3A, %run_scoped3A_19, %run_scoped3A_20, %dma_wait3A_64] : memref<32x79x1x128xi32, #tpu.memory_space<hbm>> -> memref<1x1x1x128xi32, #tpu.memory_space<hbm>>
      %dma_wait3A_66 = tpu.memref_squeeze %dma_wait3A_65 : memref<1x1x1x128xi32, #tpu.memory_space<hbm>> -> memref<128xi32, #tpu.memory_space<hbm>>
      %dma_wait3A_67 = arith.constant 0 : i32
      %dma_wait3A_68 = tpu.memref_slice %arg4[%add3A, %run_scoped3A_19, %run_scoped3A_20, %dma_wait3A_67] : memref<32x79x1x128xi32, #tpu.memory_space<hbm>> -> memref<1x1x1x128xi32, #tpu.memory_space<hbm>>
      %dma_wait3A_69 = tpu.memref_squeeze %dma_wait3A_68 : memref<1x1x1x128xi32, #tpu.memory_space<hbm>> -> memref<128xi32, #tpu.memory_space<hbm>>
      tpu.wait_dma2 semaphore(%run_scoped3A_57 : memref<!tpu.dma_semaphore, #tpu.memory_space<semaphore_mem>>) src(%dma_wait3A_69 : memref<128xi32, #tpu.memory_space<hbm>>) dst(%arg11 : memref<128xi32, #tpu.memory_space<vmem>>)
      tpu.yield
    }) : () -> ()
    %dma_start3A_21 = arith.constant 0 : i32
    %dma_start3A_22 = arith.constant 0 : i32
    %dma_start3A_23 = tpu.memref_slice %arg2[%dma_start3A_21, %dma_start3A_22] : memref<10000x128xf32, #tpu.memory_space<hbm>> -> memref<10000x128xf32, #tpu.memory_space<hbm>>
    tpu.enqueue_indirect_dma source(%dma_start3A_23 : memref<10000x128xf32, #tpu.memory_space<hbm>>) target(%arg14 : memref<128x128xf32, #tpu.memory_space<vmem>>) offsets(%arg8 : memref<128xi32, #tpu.memory_space<vmem>>) semaphore(%arg18 : memref<!tpu.dma_semaphore, #tpu.memory_space<semaphore_mem>>)
    %scan3A = arith.constant 0 : i32
    %scan3A_24 = arith.constant 0 : i32
    %scan3A_25 = arith.constant 26 : i32
    %scan3A_26 = arith.addi %scan3A_24, %scan3A_25 : i32
    %scan3A_27 = arith.constant 1 : i32
    scf.for %scan3A_57 = %scan3A_24 to %scan3A_26 step %scan3A_27  : i32 {
      %mul3A_58 = arith.constant 3 : i32
      %mul3A_59 = arith.muli %scan3A_57, %mul3A_58 : i32
      %add3A_60 = arith.constant 0 : i32
      %add3A_61 = arith.addi %mul3A_59, %add3A_60 : i32
      %dma_wait3A_62 = arith.constant 0 : i32
      %dma_wait3A_63 = arith.constant 0 : i32
      %dma_wait3A_64 = tpu.memref_slice %arg2[%dma_wait3A_62, %dma_wait3A_63] : memref<10000x128xf32, #tpu.memory_space<hbm>> -> memref<10000x128xf32, #tpu.memory_space<hbm>>
      tpu.wait_indirect_dma semaphore(%arg16 : memref<!tpu.dma_semaphore, #tpu.memory_space<semaphore_mem>>) src(%dma_wait3A_64 : memref<10000x128xf32, #tpu.memory_space<hbm>>) dst(%arg12 : memref<128x128xf32, #tpu.memory_space<vmem>>)
      %add3A_65 = arith.constant 3 : i32
      %add3A_66 = arith.addi %add3A_61, %add3A_65 : i32
      %lt3A = arith.constant 79 : i32
      %lt3A_67 = arith.cmpi slt, %add3A_66, %lt3A : i32
      %convert_element_type3A_68 = arith.extui %lt3A_67 : i1 to i32
      %cond3A_69 = arith.constant 0 : i32
      %cond3A_70 = arith.cmpi ne, %convert_element_type3A_68, %cond3A_69 : i32
      scf.if %cond3A_70 {
        %add3A_156 = arith.constant 3 : i32
        %add3A_157 = arith.addi %add3A_61, %add3A_156 : i32
        %dma_start3A_158 = arith.constant 0 : i32
        %dma_start3A_159 = arith.constant 0 : i32
        %dma_start3A_160 = tpu.memref_slice %arg3[%add3A, %add3A_157, %dma_start3A_158, %dma_start3A_159] : memref<32x79x1x128xi32, #tpu.memory_space<hbm>> -> memref<1x1x1x128xi32, #tpu.memory_space<hbm>>
        %dma_start3A_161 = tpu.memref_squeeze %dma_start3A_160 : memref<1x1x1x128xi32, #tpu.memory_space<hbm>> -> memref<128xi32, #tpu.memory_space<hbm>>
        %dma_start3A_162 = arith.constant 0 : i32
        %dma_start3A_163 = tpu.memref_slice %arg3[%add3A, %add3A_157, %dma_start3A_158, %dma_start3A_162] : memref<32x79x1x128xi32, #tpu.memory_space<hbm>> -> memref<1x1x1x128xi32, #tpu.memory_space<hbm>>
        %dma_start3A_164 = tpu.memref_squeeze %dma_start3A_163 : memref<1x1x1x128xi32, #tpu.memory_space<hbm>> -> memref<128xi32, #tpu.memory_space<hbm>>
        tpu.enqueue_dma source(%dma_start3A_164 : memref<128xi32, #tpu.memory_space<hbm>>) target(%arg6 : memref<128xi32, #tpu.memory_space<vmem>>) target_semaphore(%arg19 : memref<!tpu.dma_semaphore, #tpu.memory_space<semaphore_mem>>)
      } else {
      }
      %ge3A = arith.constant 3 : i32
      %ge3A_71 = arith.cmpi sge, %add3A_61, %ge3A : i32
      %convert_element_type3A_72 = arith.extui %ge3A_71 : i1 to i32
      %cond3A_73 = arith.constant 0 : i32
      %cond3A_74 = arith.cmpi ne, %convert_element_type3A_72, %cond3A_73 : i32
      scf.if %cond3A_74 {
        %dma_wait3A_156 = arith.constant 0 : i32
        %dma_wait3A_157 = arith.constant 0 : i32
        %dma_wait3A_158 = tpu.memref_slice %arg4[%add3A, %add3A_61, %dma_wait3A_156, %dma_wait3A_157] : memref<32x79x1x128xi32, #tpu.memory_space<hbm>> -> memref<1x1x1x128xi32, #tpu.memory_space<hbm>>
        %dma_wait3A_159 = tpu.memref_squeeze %dma_wait3A_158 : memref<1x1x1x128xi32, #tpu.memory_space<hbm>> -> memref<128xi32, #tpu.memory_space<hbm>>
        %dma_wait3A_160 = arith.constant 0 : i32
        %dma_wait3A_161 = tpu.memref_slice %arg4[%add3A, %add3A_61, %dma_wait3A_156, %dma_wait3A_160] : memref<32x79x1x128xi32, #tpu.memory_space<hbm>> -> memref<1x1x1x128xi32, #tpu.memory_space<hbm>>
        %dma_wait3A_162 = tpu.memref_squeeze %dma_wait3A_161 : memref<1x1x1x128xi32, #tpu.memory_space<hbm>> -> memref<128xi32, #tpu.memory_space<hbm>>
        tpu.wait_dma2 semaphore(%arg22 : memref<!tpu.dma_semaphore, #tpu.memory_space<semaphore_mem>>) src(%dma_wait3A_162 : memref<128xi32, #tpu.memory_space<hbm>>) dst(%arg9 : memref<128xi32, #tpu.memory_space<vmem>>)
      } else {
      }
      %dma_start3A_75 = arith.constant 0 : i32
      %dma_start3A_76 = arith.constant 0 : i32
      %dma_start3A_77 = tpu.memref_slice %arg15[%dma_start3A_75, %dma_start3A_76] : memref<10016x128xf32, #tpu.memory_space<vmem_shared>> -> memref<10016x128xf32, #tpu.memory_space<vmem_shared>>
      tpu.enqueue_indirect_dma source(%arg12 : memref<128x128xf32, #tpu.memory_space<vmem>>) target(%dma_start3A_77 : memref<10016x128xf32, #tpu.memory_space<vmem_shared>>) offsets(%arg9 : memref<128xi32, #tpu.memory_space<vmem>>) semaphore(%arg25 : memref<!tpu.dma_semaphore, #tpu.memory_space<semaphore_mem>>) {add = true}
      %ge3A_78 = arith.constant 1 : i32
      %ge3A_79 = arith.cmpi sge, %add3A_61, %ge3A_78 : i32
      %add3A_80 = arith.constant 3 : i32
      %add3A_81 = arith.addi %add3A_61, %add3A_80 : i32
      %sub3A = arith.constant 1 : i32
      %sub3A_82 = arith.subi %add3A_81, %sub3A : i32
      %lt3A_83 = arith.constant 79 : i32
      %lt3A_84 = arith.cmpi slt, %sub3A_82, %lt3A_83 : i32
      %and3A = arith.andi %ge3A_79, %lt3A_84 : i1
      %convert_element_type3A_85 = arith.extui %and3A : i1 to i32
      %cond3A_86 = arith.constant 0 : i32
      %cond3A_87 = arith.cmpi ne, %convert_element_type3A_85, %cond3A_86 : i32
      scf.if %cond3A_87 {
        %add3A_156 = arith.constant 3 : i32
        %add3A_157 = arith.addi %add3A_61, %add3A_156 : i32
        %sub3A_158 = arith.constant 1 : i32
        %sub3A_159 = arith.subi %add3A_157, %sub3A_158 : i32
        %dma_wait3A_160 = arith.constant 0 : i32
        %dma_wait3A_161 = arith.constant 0 : i32
        %dma_wait3A_162 = tpu.memref_slice %arg15[%dma_wait3A_160, %dma_wait3A_161] : memref<10016x128xf32, #tpu.memory_space<vmem_shared>> -> memref<10016x128xf32, #tpu.memory_space<vmem_shared>>
        tpu.wait_indirect_dma semaphore(%arg27 : memref<!tpu.dma_semaphore, #tpu.memory_space<semaphore_mem>>) src(%arg14 : memref<128x128xf32, #tpu.memory_space<vmem>>) dst(%dma_wait3A_162 : memref<10016x128xf32, #tpu.memory_space<vmem_shared>>)
        %dma_start3A_163 = arith.constant 0 : i32
        %dma_start3A_164 = arith.constant 0 : i32
        %dma_start3A_165 = tpu.memref_slice %arg4[%add3A, %sub3A_159, %dma_start3A_163, %dma_start3A_164] : memref<32x79x1x128xi32, #tpu.memory_space<hbm>> -> memref<1x1x1x128xi32, #tpu.memory_space<hbm>>
        %dma_start3A_166 = tpu.memref_squeeze %dma_start3A_165 : memref<1x1x1x128xi32, #tpu.memory_space<hbm>> -> memref<128xi32, #tpu.memory_space<hbm>>
        %dma_start3A_167 = arith.constant 0 : i32
        %dma_start3A_168 = tpu.memref_slice %arg4[%add3A, %sub3A_159, %dma_start3A_163, %dma_start3A_167] : memref<32x79x1x128xi32, #tpu.memory_space<hbm>> -> memref<1x1x1x128xi32, #tpu.memory_space<hbm>>
        %dma_start3A_169 = tpu.memref_squeeze %dma_start3A_168 : memref<1x1x1x128xi32, #tpu.memory_space<hbm>> -> memref<128xi32, #tpu.memory_space<hbm>>
        tpu.enqueue_dma source(%dma_start3A_169 : memref<128xi32, #tpu.memory_space<hbm>>) target(%arg11 : memref<128xi32, #tpu.memory_space<vmem>>) target_semaphore(%arg24 : memref<!tpu.dma_semaphore, #tpu.memory_space<semaphore_mem>>)
        %dma_wait3A_170 = arith.constant 0 : i32
        %dma_wait3A_171 = arith.constant 0 : i32
        %dma_wait3A_172 = tpu.memref_slice %arg3[%add3A, %sub3A_159, %dma_wait3A_170, %dma_wait3A_171] : memref<32x79x1x128xi32, #tpu.memory_space<hbm>> -> memref<1x1x1x128xi32, #tpu.memory_space<hbm>>
        %dma_wait3A_173 = tpu.memref_squeeze %dma_wait3A_172 : memref<1x1x1x128xi32, #tpu.memory_space<hbm>> -> memref<128xi32, #tpu.memory_space<hbm>>
        %dma_wait3A_174 = arith.constant 0 : i32
        %dma_wait3A_175 = tpu.memref_slice %arg3[%add3A, %sub3A_159, %dma_wait3A_170, %dma_wait3A_174] : memref<32x79x1x128xi32, #tpu.memory_space<hbm>> -> memref<1x1x1x128xi32, #tpu.memory_space<hbm>>
        %dma_wait3A_176 = tpu.memref_squeeze %dma_wait3A_175 : memref<1x1x1x128xi32, #tpu.memory_space<hbm>> -> memref<128xi32, #tpu.memory_space<hbm>>
        tpu.wait_dma2 semaphore(%arg21 : memref<!tpu.dma_semaphore, #tpu.memory_space<semaphore_mem>>) src(%dma_wait3A_176 : memref<128xi32, #tpu.memory_space<hbm>>) dst(%arg8 : memref<128xi32, #tpu.memory_space<vmem>>)
        %dma_start3A_177 = arith.constant 0 : i32
        %dma_start3A_178 = arith.constant 0 : i32
        %dma_start3A_179 = tpu.memref_slice %arg2[%dma_start3A_177, %dma_start3A_178] : memref<10000x128xf32, #tpu.memory_space<hbm>> -> memref<10000x128xf32, #tpu.memory_space<hbm>>
        tpu.enqueue_indirect_dma source(%dma_start3A_179 : memref<10000x128xf32, #tpu.memory_space<hbm>>) target(%arg14 : memref<128x128xf32, #tpu.memory_space<vmem>>) offsets(%arg8 : memref<128xi32, #tpu.memory_space<vmem>>) semaphore(%arg18 : memref<!tpu.dma_semaphore, #tpu.memory_space<semaphore_mem>>)
      } else {
      }
      %mul3A_88 = arith.constant 3 : i32
      %mul3A_89 = arith.muli %scan3A_57, %mul3A_88 : i32
      %add3A_90 = arith.constant 1 : i32
      %add3A_91 = arith.addi %mul3A_89, %add3A_90 : i32
      %dma_wait3A_92 = arith.constant 0 : i32
      %dma_wait3A_93 = arith.constant 0 : i32
      %dma_wait3A_94 = tpu.memref_slice %arg2[%dma_wait3A_92, %dma_wait3A_93] : memref<10000x128xf32, #tpu.memory_space<hbm>> -> memref<10000x128xf32, #tpu.memory_space<hbm>>
      tpu.wait_indirect_dma semaphore(%arg17 : memref<!tpu.dma_semaphore, #tpu.memory_space<semaphore_mem>>) src(%dma_wait3A_94 : memref<10000x128xf32, #tpu.memory_space<hbm>>) dst(%arg13 : memref<128x128xf32, #tpu.memory_space<vmem>>)
      %add3A_95 = arith.constant 3 : i32
      %add3A_96 = arith.addi %add3A_91, %add3A_95 : i32
      %lt3A_97 = arith.constant 79 : i32
      %lt3A_98 = arith.cmpi slt, %add3A_96, %lt3A_97 : i32
      %convert_element_type3A_99 = arith.extui %lt3A_98 : i1 to i32
      %cond3A_100 = arith.constant 0 : i32
      %cond3A_101 = arith.cmpi ne, %convert_element_type3A_99, %cond3A_100 : i32
      scf.if %cond3A_101 {
        %add3A_156 = arith.constant 3 : i32
        %add3A_157 = arith.addi %add3A_91, %add3A_156 : i32
        %dma_start3A_158 = arith.constant 0 : i32
        %dma_start3A_159 = arith.constant 0 : i32
        %dma_start3A_160 = tpu.memref_slice %arg3[%add3A, %add3A_157, %dma_start3A_158, %dma_start3A_159] : memref<32x79x1x128xi32, #tpu.memory_space<hbm>> -> memref<1x1x1x128xi32, #tpu.memory_space<hbm>>
        %dma_start3A_161 = tpu.memref_squeeze %dma_start3A_160 : memref<1x1x1x128xi32, #tpu.memory_space<hbm>> -> memref<128xi32, #tpu.memory_space<hbm>>
        %dma_start3A_162 = arith.constant 0 : i32
        %dma_start3A_163 = tpu.memref_slice %arg3[%add3A, %add3A_157, %dma_start3A_158, %dma_start3A_162] : memref<32x79x1x128xi32, #tpu.memory_space<hbm>> -> memref<1x1x1x128xi32, #tpu.memory_space<hbm>>
        %dma_start3A_164 = tpu.memref_squeeze %dma_start3A_163 : memref<1x1x1x128xi32, #tpu.memory_space<hbm>> -> memref<128xi32, #tpu.memory_space<hbm>>
        tpu.enqueue_dma source(%dma_start3A_164 : memref<128xi32, #tpu.memory_space<hbm>>) target(%arg7 : memref<128xi32, #tpu.memory_space<vmem>>) target_semaphore(%arg20 : memref<!tpu.dma_semaphore, #tpu.memory_space<semaphore_mem>>)
      } else {
      }
      %ge3A_102 = arith.constant 3 : i32
      %ge3A_103 = arith.cmpi sge, %add3A_91, %ge3A_102 : i32
      %convert_element_type3A_104 = arith.extui %ge3A_103 : i1 to i32
      %cond3A_105 = arith.constant 0 : i32
      %cond3A_106 = arith.cmpi ne, %convert_element_type3A_104, %cond3A_105 : i32
      scf.if %cond3A_106 {
        %dma_wait3A_156 = arith.constant 0 : i32
        %dma_wait3A_157 = arith.constant 0 : i32
        %dma_wait3A_158 = tpu.memref_slice %arg4[%add3A, %add3A_91, %dma_wait3A_156, %dma_wait3A_157] : memref<32x79x1x128xi32, #tpu.memory_space<hbm>> -> memref<1x1x1x128xi32, #tpu.memory_space<hbm>>
        %dma_wait3A_159 = tpu.memref_squeeze %dma_wait3A_158 : memref<1x1x1x128xi32, #tpu.memory_space<hbm>> -> memref<128xi32, #tpu.memory_space<hbm>>
        %dma_wait3A_160 = arith.constant 0 : i32
        %dma_wait3A_161 = tpu.memref_slice %arg4[%add3A, %add3A_91, %dma_wait3A_156, %dma_wait3A_160] : memref<32x79x1x128xi32, #tpu.memory_space<hbm>> -> memref<1x1x1x128xi32, #tpu.memory_space<hbm>>
        %dma_wait3A_162 = tpu.memref_squeeze %dma_wait3A_161 : memref<1x1x1x128xi32, #tpu.memory_space<hbm>> -> memref<128xi32, #tpu.memory_space<hbm>>
        tpu.wait_dma2 semaphore(%arg23 : memref<!tpu.dma_semaphore, #tpu.memory_space<semaphore_mem>>) src(%dma_wait3A_162 : memref<128xi32, #tpu.memory_space<hbm>>) dst(%arg10 : memref<128xi32, #tpu.memory_space<vmem>>)
      } else {
      }
      %dma_start3A_107 = arith.constant 0 : i32
      %dma_start3A_108 = arith.constant 0 : i32
      %dma_start3A_109 = tpu.memref_slice %arg15[%dma_start3A_107, %dma_start3A_108] : memref<10016x128xf32, #tpu.memory_space<vmem_shared>> -> memref<10016x128xf32, #tpu.memory_space<vmem_shared>>
      tpu.enqueue_indirect_dma source(%arg13 : memref<128x128xf32, #tpu.memory_space<vmem>>) target(%dma_start3A_109 : memref<10016x128xf32, #tpu.memory_space<vmem_shared>>) offsets(%arg10 : memref<128xi32, #tpu.memory_space<vmem>>) semaphore(%arg26 : memref<!tpu.dma_semaphore, #tpu.memory_space<semaphore_mem>>) {add = true}
      %ge3A_110 = arith.constant 1 : i32
      %ge3A_111 = arith.cmpi sge, %add3A_91, %ge3A_110 : i32
      %add3A_112 = arith.constant 3 : i32
      %add3A_113 = arith.addi %add3A_91, %add3A_112 : i32
      %sub3A_114 = arith.constant 1 : i32
      %sub3A_115 = arith.subi %add3A_113, %sub3A_114 : i32
      %lt3A_116 = arith.constant 79 : i32
      %lt3A_117 = arith.cmpi slt, %sub3A_115, %lt3A_116 : i32
      %and3A_118 = arith.andi %ge3A_111, %lt3A_117 : i1
      %convert_element_type3A_119 = arith.extui %and3A_118 : i1 to i32
      %cond3A_120 = arith.constant 0 : i32
      %cond3A_121 = arith.cmpi ne, %convert_element_type3A_119, %cond3A_120 : i32
      scf.if %cond3A_121 {
        %add3A_156 = arith.constant 3 : i32
        %add3A_157 = arith.addi %add3A_91, %add3A_156 : i32
        %sub3A_158 = arith.constant 1 : i32
        %sub3A_159 = arith.subi %add3A_157, %sub3A_158 : i32
        %dma_wait3A_160 = arith.constant 0 : i32
        %dma_wait3A_161 = arith.constant 0 : i32
        %dma_wait3A_162 = tpu.memref_slice %arg15[%dma_wait3A_160, %dma_wait3A_161] : memref<10016x128xf32, #tpu.memory_space<vmem_shared>> -> memref<10016x128xf32, #tpu.memory_space<vmem_shared>>
        tpu.wait_indirect_dma semaphore(%arg25 : memref<!tpu.dma_semaphore, #tpu.memory_space<semaphore_mem>>) src(%arg12 : memref<128x128xf32, #tpu.memory_space<vmem>>) dst(%dma_wait3A_162 : memref<10016x128xf32, #tpu.memory_space<vmem_shared>>)
        %dma_start3A_163 = arith.constant 0 : i32
        %dma_start3A_164 = arith.constant 0 : i32
        %dma_start3A_165 = tpu.memref_slice %arg4[%add3A, %sub3A_159, %dma_start3A_163, %dma_start3A_164] : memref<32x79x1x128xi32, #tpu.memory_space<hbm>> -> memref<1x1x1x128xi32, #tpu.memory_space<hbm>>
        %dma_start3A_166 = tpu.memref_squeeze %dma_start3A_165 : memref<1x1x1x128xi32, #tpu.memory_space<hbm>> -> memref<128xi32, #tpu.memory_space<hbm>>
        %dma_start3A_167 = arith.constant 0 : i32
        %dma_start3A_168 = tpu.memref_slice %arg4[%add3A, %sub3A_159, %dma_start3A_163, %dma_start3A_167] : memref<32x79x1x128xi32, #tpu.memory_space<hbm>> -> memref<1x1x1x128xi32, #tpu.memory_space<hbm>>
        %dma_start3A_169 = tpu.memref_squeeze %dma_start3A_168 : memref<1x1x1x128xi32, #tpu.memory_space<hbm>> -> memref<128xi32, #tpu.memory_space<hbm>>
        tpu.enqueue_dma source(%dma_start3A_169 : memref<128xi32, #tpu.memory_space<hbm>>) target(%arg9 : memref<128xi32, #tpu.memory_space<vmem>>) target_semaphore(%arg22 : memref<!tpu.dma_semaphore, #tpu.memory_space<semaphore_mem>>)
        %dma_wait3A_170 = arith.constant 0 : i32
        %dma_wait3A_171 = arith.constant 0 : i32
        %dma_wait3A_172 = tpu.memref_slice %arg3[%add3A, %sub3A_159, %dma_wait3A_170, %dma_wait3A_171] : memref<32x79x1x128xi32, #tpu.memory_space<hbm>> -> memref<1x1x1x128xi32, #tpu.memory_space<hbm>>
        %dma_wait3A_173 = tpu.memref_squeeze %dma_wait3A_172 : memref<1x1x1x128xi32, #tpu.memory_space<hbm>> -> memref<128xi32, #tpu.memory_space<hbm>>
        %dma_wait3A_174 = arith.constant 0 : i32
        %dma_wait3A_175 = tpu.memref_slice %arg3[%add3A, %sub3A_159, %dma_wait3A_170, %dma_wait3A_174] : memref<32x79x1x128xi32, #tpu.memory_space<hbm>> -> memref<1x1x1x128xi32, #tpu.memory_space<hbm>>
        %dma_wait3A_176 = tpu.memref_squeeze %dma_wait3A_175 : memref<1x1x1x128xi32, #tpu.memory_space<hbm>> -> memref<128xi32, #tpu.memory_space<hbm>>
        tpu.wait_dma2 semaphore(%arg19 : memref<!tpu.dma_semaphore, #tpu.memory_space<semaphore_mem>>) src(%dma_wait3A_176 : memref<128xi32, #tpu.memory_space<hbm>>) dst(%arg6 : memref<128xi32, #tpu.memory_space<vmem>>)
        %dma_start3A_177 = arith.constant 0 : i32
        %dma_start3A_178 = arith.constant 0 : i32
        %dma_start3A_179 = tpu.memref_slice %arg2[%dma_start3A_177, %dma_start3A_178] : memref<10000x128xf32, #tpu.memory_space<hbm>> -> memref<10000x128xf32, #tpu.memory_space<hbm>>
        tpu.enqueue_indirect_dma source(%dma_start3A_179 : memref<10000x128xf32, #tpu.memory_space<hbm>>) target(%arg12 : memref<128x128xf32, #tpu.memory_space<vmem>>) offsets(%arg6 : memref<128xi32, #tpu.memory_space<vmem>>) semaphore(%arg16 : memref<!tpu.dma_semaphore, #tpu.memory_space<semaphore_mem>>)
      } else {
      }
      %mul3A_122 = arith.constant 3 : i32
      %mul3A_123 = arith.muli %scan3A_57, %mul3A_122 : i32
      %add3A_124 = arith.constant 2 : i32
      %add3A_125 = arith.addi %mul3A_123, %add3A_124 : i32
      %dma_wait3A_126 = arith.constant 0 : i32
      %dma_wait3A_127 = arith.constant 0 : i32
      %dma_wait3A_128 = tpu.memref_slice %arg2[%dma_wait3A_126, %dma_wait3A_127] : memref<10000x128xf32, #tpu.memory_space<hbm>> -> memref<10000x128xf32, #tpu.memory_space<hbm>>
      tpu.wait_indirect_dma semaphore(%arg18 : memref<!tpu.dma_semaphore, #tpu.memory_space<semaphore_mem>>) src(%dma_wait3A_128 : memref<10000x128xf32, #tpu.memory_space<hbm>>) dst(%arg14 : memref<128x128xf32, #tpu.memory_space<vmem>>)
      %add3A_129 = arith.constant 3 : i32
      %add3A_130 = arith.addi %add3A_125, %add3A_129 : i32
      %lt3A_131 = arith.constant 79 : i32
      %lt3A_132 = arith.cmpi slt, %add3A_130, %lt3A_131 : i32
      %convert_element_type3A_133 = arith.extui %lt3A_132 : i1 to i32
      %cond3A_134 = arith.constant 0 : i32
      %cond3A_135 = arith.cmpi ne, %convert_element_type3A_133, %cond3A_134 : i32
      scf.if %cond3A_135 {
        %add3A_156 = arith.constant 3 : i32
        %add3A_157 = arith.addi %add3A_125, %add3A_156 : i32
        %dma_start3A_158 = arith.constant 0 : i32
        %dma_start3A_159 = arith.constant 0 : i32
        %dma_start3A_160 = tpu.memref_slice %arg3[%add3A, %add3A_157, %dma_start3A_158, %dma_start3A_159] : memref<32x79x1x128xi32, #tpu.memory_space<hbm>> -> memref<1x1x1x128xi32, #tpu.memory_space<hbm>>
        %dma_start3A_161 = tpu.memref_squeeze %dma_start3A_160 : memref<1x1x1x128xi32, #tpu.memory_space<hbm>> -> memref<128xi32, #tpu.memory_space<hbm>>
        %dma_start3A_162 = arith.constant 0 : i32
        %dma_start3A_163 = tpu.memref_slice %arg3[%add3A, %add3A_157, %dma_start3A_158, %dma_start3A_162] : memref<32x79x1x128xi32, #tpu.memory_space<hbm>> -> memref<1x1x1x128xi32, #tpu.memory_space<hbm>>
        %dma_start3A_164 = tpu.memref_squeeze %dma_start3A_163 : memref<1x1x1x128xi32, #tpu.memory_space<hbm>> -> memref<128xi32, #tpu.memory_space<hbm>>
        tpu.enqueue_dma source(%dma_start3A_164 : memref<128xi32, #tpu.memory_space<hbm>>) target(%arg8 : memref<128xi32, #tpu.memory_space<vmem>>) target_semaphore(%arg21 : memref<!tpu.dma_semaphore, #tpu.memory_space<semaphore_mem>>)
      } else {
      }
      %ge3A_136 = arith.constant 3 : i32
      %ge3A_137 = arith.cmpi sge, %add3A_125, %ge3A_136 : i32
      %convert_element_type3A_138 = arith.extui %ge3A_137 : i1 to i32
      %cond3A_139 = arith.constant 0 : i32
      %cond3A_140 = arith.cmpi ne, %convert_element_type3A_138, %cond3A_139 : i32
      scf.if %cond3A_140 {
        %dma_wait3A_156 = arith.constant 0 : i32
        %dma_wait3A_157 = arith.constant 0 : i32
        %dma_wait3A_158 = tpu.memref_slice %arg4[%add3A, %add3A_125, %dma_wait3A_156, %dma_wait3A_157] : memref<32x79x1x128xi32, #tpu.memory_space<hbm>> -> memref<1x1x1x128xi32, #tpu.memory_space<hbm>>
        %dma_wait3A_159 = tpu.memref_squeeze %dma_wait3A_158 : memref<1x1x1x128xi32, #tpu.memory_space<hbm>> -> memref<128xi32, #tpu.memory_space<hbm>>
        %dma_wait3A_160 = arith.constant 0 : i32
        %dma_wait3A_161 = tpu.memref_slice %arg4[%add3A, %add3A_125, %dma_wait3A_156, %dma_wait3A_160] : memref<32x79x1x128xi32, #tpu.memory_space<hbm>> -> memref<1x1x1x128xi32, #tpu.memory_space<hbm>>
        %dma_wait3A_162 = tpu.memref_squeeze %dma_wait3A_161 : memref<1x1x1x128xi32, #tpu.memory_space<hbm>> -> memref<128xi32, #tpu.memory_space<hbm>>
        tpu.wait_dma2 semaphore(%arg24 : memref<!tpu.dma_semaphore, #tpu.memory_space<semaphore_mem>>) src(%dma_wait3A_162 : memref<128xi32, #tpu.memory_space<hbm>>) dst(%arg11 : memref<128xi32, #tpu.memory_space<vmem>>)
      } else {
      }
      %dma_start3A_141 = arith.constant 0 : i32
      %dma_start3A_142 = arith.constant 0 : i32
      %dma_start3A_143 = tpu.memref_slice %arg15[%dma_start3A_141, %dma_start3A_142] : memref<10016x128xf32, #tpu.memory_space<vmem_shared>> -> memref<10016x128xf32, #tpu.memory_space<vmem_shared>>
      tpu.enqueue_indirect_dma source(%arg14 : memref<128x128xf32, #tpu.memory_space<vmem>>) target(%dma_start3A_143 : memref<10016x128xf32, #tpu.memory_space<vmem_shared>>) offsets(%arg11 : memref<128xi32, #tpu.memory_space<vmem>>) semaphore(%arg27 : memref<!tpu.dma_semaphore, #tpu.memory_space<semaphore_mem>>) {add = true}
      %ge3A_144 = arith.constant 1 : i32
      %ge3A_145 = arith.cmpi sge, %add3A_125, %ge3A_144 : i32
      %add3A_146 = arith.constant 3 : i32
      %add3A_147 = arith.addi %add3A_125, %add3A_146 : i32
      %sub3A_148 = arith.constant 1 : i32
      %sub3A_149 = arith.subi %add3A_147, %sub3A_148 : i32
      %lt3A_150 = arith.constant 79 : i32
      %lt3A_151 = arith.cmpi slt, %sub3A_149, %lt3A_150 : i32
      %and3A_152 = arith.andi %ge3A_145, %lt3A_151 : i1
      %convert_element_type3A_153 = arith.extui %and3A_152 : i1 to i32
      %cond3A_154 = arith.constant 0 : i32
      %cond3A_155 = arith.cmpi ne, %convert_element_type3A_153, %cond3A_154 : i32
      scf.if %cond3A_155 {
        %add3A_156 = arith.constant 3 : i32
        %add3A_157 = arith.addi %add3A_125, %add3A_156 : i32
        %sub3A_158 = arith.constant 1 : i32
        %sub3A_159 = arith.subi %add3A_157, %sub3A_158 : i32
        %dma_wait3A_160 = arith.constant 0 : i32
        %dma_wait3A_161 = arith.constant 0 : i32
        %dma_wait3A_162 = tpu.memref_slice %arg15[%dma_wait3A_160, %dma_wait3A_161] : memref<10016x128xf32, #tpu.memory_space<vmem_shared>> -> memref<10016x128xf32, #tpu.memory_space<vmem_shared>>
        tpu.wait_indirect_dma semaphore(%arg26 : memref<!tpu.dma_semaphore, #tpu.memory_space<semaphore_mem>>) src(%arg13 : memref<128x128xf32, #tpu.memory_space<vmem>>) dst(%dma_wait3A_162 : memref<10016x128xf32, #tpu.memory_space<vmem_shared>>)
        %dma_start3A_163 = arith.constant 0 : i32
        %dma_start3A_164 = arith.constant 0 : i32
        %dma_start3A_165 = tpu.memref_slice %arg4[%add3A, %sub3A_159, %dma_start3A_163, %dma_start3A_164] : memref<32x79x1x128xi32, #tpu.memory_space<hbm>> -> memref<1x1x1x128xi32, #tpu.memory_space<hbm>>
        %dma_start3A_166 = tpu.memref_squeeze %dma_start3A_165 : memref<1x1x1x128xi32, #tpu.memory_space<hbm>> -> memref<128xi32, #tpu.memory_space<hbm>>
        %dma_start3A_167 = arith.constant 0 : i32
        %dma_start3A_168 = tpu.memref_slice %arg4[%add3A, %sub3A_159, %dma_start3A_163, %dma_start3A_167] : memref<32x79x1x128xi32, #tpu.memory_space<hbm>> -> memref<1x1x1x128xi32, #tpu.memory_space<hbm>>
        %dma_start3A_169 = tpu.memref_squeeze %dma_start3A_168 : memref<1x1x1x128xi32, #tpu.memory_space<hbm>> -> memref<128xi32, #tpu.memory_space<hbm>>
        tpu.enqueue_dma source(%dma_start3A_169 : memref<128xi32, #tpu.memory_space<hbm>>) target(%arg10 : memref<128xi32, #tpu.memory_space<vmem>>) target_semaphore(%arg23 : memref<!tpu.dma_semaphore, #tpu.memory_space<semaphore_mem>>)
        %dma_wait3A_170 = arith.constant 0 : i32
        %dma_wait3A_171 = arith.constant 0 : i32
        %dma_wait3A_172 = tpu.memref_slice %arg3[%add3A, %sub3A_159, %dma_wait3A_170, %dma_wait3A_171] : memref<32x79x1x128xi32, #tpu.memory_space<hbm>> -> memref<1x1x1x128xi32, #tpu.memory_space<hbm>>
        %dma_wait3A_173 = tpu.memref_squeeze %dma_wait3A_172 : memref<1x1x1x128xi32, #tpu.memory_space<hbm>> -> memref<128xi32, #tpu.memory_space<hbm>>
        %dma_wait3A_174 = arith.constant 0 : i32
        %dma_wait3A_175 = tpu.memref_slice %arg3[%add3A, %sub3A_159, %dma_wait3A_170, %dma_wait3A_174] : memref<32x79x1x128xi32, #tpu.memory_space<hbm>> -> memref<1x1x1x128xi32, #tpu.memory_space<hbm>>
        %dma_wait3A_176 = tpu.memref_squeeze %dma_wait3A_175 : memref<1x1x1x128xi32, #tpu.memory_space<hbm>> -> memref<128xi32, #tpu.memory_space<hbm>>
        tpu.wait_dma2 semaphore(%arg20 : memref<!tpu.dma_semaphore, #tpu.memory_space<semaphore_mem>>) src(%dma_wait3A_176 : memref<128xi32, #tpu.memory_space<hbm>>) dst(%arg7 : memref<128xi32, #tpu.memory_space<vmem>>)
        %dma_start3A_177 = arith.constant 0 : i32
        %dma_start3A_178 = arith.constant 0 : i32
        %dma_start3A_179 = tpu.memref_slice %arg2[%dma_start3A_177, %dma_start3A_178] : memref<10000x128xf32, #tpu.memory_space<hbm>> -> memref<10000x128xf32, #tpu.memory_space<hbm>>
        tpu.enqueue_indirect_dma source(%dma_start3A_179 : memref<10000x128xf32, #tpu.memory_space<hbm>>) target(%arg13 : memref<128x128xf32, #tpu.memory_space<vmem>>) offsets(%arg7 : memref<128xi32, #tpu.memory_space<vmem>>) semaphore(%arg17 : memref<!tpu.dma_semaphore, #tpu.memory_space<semaphore_mem>>)
      } else {
      }
    }
    %scan3A_28 = arith.constant 26 : i32
    %dma_wait3A = arith.constant 0 : i32
    %dma_wait3A_29 = arith.constant 0 : i32
    %dma_wait3A_30 = tpu.memref_slice %arg2[%dma_wait3A, %dma_wait3A_29] : memref<10000x128xf32, #tpu.memory_space<hbm>> -> memref<10000x128xf32, #tpu.memory_space<hbm>>
    tpu.wait_indirect_dma semaphore(%arg16 : memref<!tpu.dma_semaphore, #tpu.memory_space<semaphore_mem>>) src(%dma_wait3A_30 : memref<10000x128xf32, #tpu.memory_space<hbm>>) dst(%arg12 : memref<128x128xf32, #tpu.memory_space<vmem>>)
    %dma_wait3A_31 = arith.constant 78 : i32
    %dma_wait3A_32 = arith.constant 0 : i32
    %dma_wait3A_33 = arith.constant 0 : i32
    %dma_wait3A_34 = tpu.memref_slice %arg4[%add3A, %dma_wait3A_31, %dma_wait3A_32, %dma_wait3A_33] : memref<32x79x1x128xi32, #tpu.memory_space<hbm>> -> memref<1x1x1x128xi32, #tpu.memory_space<hbm>>
    %dma_wait3A_35 = tpu.memref_squeeze %dma_wait3A_34 : memref<1x1x1x128xi32, #tpu.memory_space<hbm>> -> memref<128xi32, #tpu.memory_space<hbm>>
    %dma_wait3A_36 = arith.constant 0 : i32
    %dma_wait3A_37 = tpu.memref_slice %arg4[%add3A, %dma_wait3A_31, %dma_wait3A_32, %dma_wait3A_36] : memref<32x79x1x128xi32, #tpu.memory_space<hbm>> -> memref<1x1x1x128xi32, #tpu.memory_space<hbm>>
    %dma_wait3A_38 = tpu.memref_squeeze %dma_wait3A_37 : memref<1x1x1x128xi32, #tpu.memory_space<hbm>> -> memref<128xi32, #tpu.memory_space<hbm>>
    tpu.wait_dma2 semaphore(%arg22 : memref<!tpu.dma_semaphore, #tpu.memory_space<semaphore_mem>>) src(%dma_wait3A_38 : memref<128xi32, #tpu.memory_space<hbm>>) dst(%arg9 : memref<128xi32, #tpu.memory_space<vmem>>)
    %dma_start3A_39 = arith.constant 0 : i32
    %dma_start3A_40 = arith.constant 0 : i32
    %dma_start3A_41 = tpu.memref_slice %arg15[%dma_start3A_39, %dma_start3A_40] : memref<10016x128xf32, #tpu.memory_space<vmem_shared>> -> memref<10016x128xf32, #tpu.memory_space<vmem_shared>>
    tpu.enqueue_indirect_dma source(%arg12 : memref<128x128xf32, #tpu.memory_space<vmem>>) target(%dma_start3A_41 : memref<10016x128xf32, #tpu.memory_space<vmem_shared>>) offsets(%arg9 : memref<128xi32, #tpu.memory_space<vmem>>) semaphore(%arg25 : memref<!tpu.dma_semaphore, #tpu.memory_space<semaphore_mem>>) {add = true}
    %dma_wait3A_42 = arith.constant 0 : i32
    %dma_wait3A_43 = arith.constant 0 : i32
    %dma_wait3A_44 = tpu.memref_slice %arg15[%dma_wait3A_42, %dma_wait3A_43] : memref<10016x128xf32, #tpu.memory_space<vmem_shared>> -> memref<10016x128xf32, #tpu.memory_space<vmem_shared>>
    tpu.wait_indirect_dma semaphore(%arg26 : memref<!tpu.dma_semaphore, #tpu.memory_space<semaphore_mem>>) src(%arg13 : memref<128x128xf32, #tpu.memory_space<vmem>>) dst(%dma_wait3A_44 : memref<10016x128xf32, #tpu.memory_space<vmem_shared>>)
    %dma_wait3A_45 = arith.constant 0 : i32
    %dma_wait3A_46 = arith.constant 0 : i32
    %dma_wait3A_47 = tpu.memref_slice %arg15[%dma_wait3A_45, %dma_wait3A_46] : memref<10016x128xf32, #tpu.memory_space<vmem_shared>> -> memref<10016x128xf32, #tpu.memory_space<vmem_shared>>
    tpu.wait_indirect_dma semaphore(%arg27 : memref<!tpu.dma_semaphore, #tpu.memory_space<semaphore_mem>>) src(%arg14 : memref<128x128xf32, #tpu.memory_space<vmem>>) dst(%dma_wait3A_47 : memref<10016x128xf32, #tpu.memory_space<vmem_shared>>)
    %dma_wait3A_48 = arith.constant 0 : i32
    %dma_wait3A_49 = arith.constant 0 : i32
    %dma_wait3A_50 = tpu.memref_slice %arg15[%dma_wait3A_48, %dma_wait3A_49] : memref<10016x128xf32, #tpu.memory_space<vmem_shared>> -> memref<10016x128xf32, #tpu.memory_space<vmem_shared>>
    tpu.wait_indirect_dma semaphore(%arg25 : memref<!tpu.dma_semaphore, #tpu.memory_space<semaphore_mem>>) src(%arg12 : memref<128x128xf32, #tpu.memory_space<vmem>>) dst(%dma_wait3A_50 : memref<10016x128xf32, #tpu.memory_space<vmem_shared>>)
    %barrier3A_51 = arith.constant 0 : index
    tpu.barrier barrier_id(%barrier3A_51)
    "tpu.region"() ({
      %run_scoped3A_57 = tpu.sem_alloc : memref<!tpu.dma_semaphore, #tpu.memory_space<semaphore_mem>>
      %dma_start3A_58 = arith.constant 0 : i32
      %dma_start3A_59 = tpu.memref_slice %arg5[%arg0, %mul3A_2, %dma_start3A_58] : memref<2x10000x128xf32, #tpu.memory_space<hbm>> -> memref<1x624x128xf32, #tpu.memory_space<hbm>>
      %dma_start3A_60 = tpu.memref_squeeze %dma_start3A_59 : memref<1x624x128xf32, #tpu.memory_space<hbm>> -> memref<624x128xf32, #tpu.memory_space<hbm>>
      %dma_start3A_61 = arith.constant 0 : i32
      %dma_start3A_62 = tpu.memref_slice %arg15[%mul3A_2, %dma_start3A_61] : memref<10016x128xf32, #tpu.memory_space<vmem_shared>> -> memref<624x128xf32, #tpu.memory_space<vmem_shared>>
      tpu.enqueue_dma source(%dma_start3A_62 : memref<624x128xf32, #tpu.memory_space<vmem_shared>>) target(%dma_start3A_60 : memref<624x128xf32, #tpu.memory_space<hbm>>) target_semaphore(%run_scoped3A_57 : memref<!tpu.dma_semaphore, #tpu.memory_space<semaphore_mem>>)
      %dma_wait3A_63 = arith.constant 0 : i32
      %dma_wait3A_64 = tpu.memref_slice %arg5[%arg0, %mul3A_2, %dma_wait3A_63] : memref<2x10000x128xf32, #tpu.memory_space<hbm>> -> memref<1x624x128xf32, #tpu.memory_space<hbm>>
      %dma_wait3A_65 = tpu.memref_squeeze %dma_wait3A_64 : memref<1x624x128xf32, #tpu.memory_space<hbm>> -> memref<624x128xf32, #tpu.memory_space<hbm>>
      %dma_wait3A_66 = arith.constant 0 : i32
      %dma_wait3A_67 = tpu.memref_slice %arg15[%mul3A_2, %dma_wait3A_66] : memref<10016x128xf32, #tpu.memory_space<vmem_shared>> -> memref<624x128xf32, #tpu.memory_space<vmem_shared>>
      tpu.wait_dma2 semaphore(%run_scoped3A_57 : memref<!tpu.dma_semaphore, #tpu.memory_space<semaphore_mem>>) src(%dma_wait3A_67 : memref<624x128xf32, #tpu.memory_space<vmem_shared>>) dst(%dma_wait3A_65 : memref<624x128xf32, #tpu.memory_space<hbm>>)
      tpu.yield
    }) : () -> ()
    %eq3A_52 = arith.constant 0 : i32
    %eq3A_53 = arith.cmpi eq, %arg1, %eq3A_52 : i32
    %convert_element_type3A_54 = arith.extui %eq3A_53 : i1 to i32
    %cond3A_55 = arith.constant 0 : i32
    %cond3A_56 = arith.cmpi ne, %convert_element_type3A_54, %cond3A_55 : i32
    scf.if %cond3A_56 {
      "tpu.region"() ({
        %run_scoped3A_57 = tpu.sem_alloc : memref<!tpu.dma_semaphore, #tpu.memory_space<semaphore_mem>>
        %dma_start3A_58 = arith.constant 9984 : i32
        %dma_start3A_59 = arith.constant 0 : i32
        %dma_start3A_60 = tpu.memref_slice %arg5[%arg0, %dma_start3A_58, %dma_start3A_59] : memref<2x10000x128xf32, #tpu.memory_space<hbm>> -> memref<1x16x128xf32, #tpu.memory_space<hbm>>
        %dma_start3A_61 = tpu.memref_squeeze %dma_start3A_60 : memref<1x16x128xf32, #tpu.memory_space<hbm>> -> memref<16x128xf32, #tpu.memory_space<hbm>>
        %dma_start3A_62 = arith.constant 9984 : i32
        %dma_start3A_63 = arith.constant 0 : i32
        %dma_start3A_64 = tpu.memref_slice %arg15[%dma_start3A_62, %dma_start3A_63] : memref<10016x128xf32, #tpu.memory_space<vmem_shared>> -> memref<16x128xf32, #tpu.memory_space<vmem_shared>>
        tpu.enqueue_dma source(%dma_start3A_64 : memref<16x128xf32, #tpu.memory_space<vmem_shared>>) target(%dma_start3A_61 : memref<16x128xf32, #tpu.memory_space<hbm>>) target_semaphore(%run_scoped3A_57 : memref<!tpu.dma_semaphore, #tpu.memory_space<semaphore_mem>>)
        %dma_wait3A_65 = arith.constant 9984 : i32
        %dma_wait3A_66 = arith.constant 0 : i32
        %dma_wait3A_67 = tpu.memref_slice %arg5[%arg0, %dma_wait3A_65, %dma_wait3A_66] : memref<2x10000x128xf32, #tpu.memory_space<hbm>> -> memref<1x16x128xf32, #tpu.memory_space<hbm>>
        %dma_wait3A_68 = tpu.memref_squeeze %dma_wait3A_67 : memref<1x16x128xf32, #tpu.memory_space<hbm>> -> memref<16x128xf32, #tpu.memory_space<hbm>>
        %dma_wait3A_69 = arith.constant 9984 : i32
        %dma_wait3A_70 = arith.constant 0 : i32
        %dma_wait3A_71 = tpu.memref_slice %arg15[%dma_wait3A_69, %dma_wait3A_70] : memref<10016x128xf32, #tpu.memory_space<vmem_shared>> -> memref<16x128xf32, #tpu.memory_space<vmem_shared>>
        tpu.wait_dma2 semaphore(%run_scoped3A_57 : memref<!tpu.dma_semaphore, #tpu.memory_space<semaphore_mem>>) src(%dma_wait3A_71 : memref<16x128xf32, #tpu.memory_space<vmem_shared>>) dst(%dma_wait3A_68 : memref<16x128xf32, #tpu.memory_space<hbm>>)
        tpu.yield
      }) : () -> ()
    } else {
    }
    return
  }
}

#map = affine_map<(d0, d1) -> (0, 0)>
#map1 = affine_map<(d0, d1) -> (0, 0, 0, 0)>
#map2 = affine_map<(d0, d1) -> (0, 0, 0)>
module attributes {stable_mosaic.version = 14 : i64} {
  func.func @agg(%arg0: i32, %arg1: i32, %arg2: memref<10000x128xf32, #tpu.memory_space<hbm>>, %arg3: memref<32x79x1x128xi32, #tpu.memory_space<hbm>>, %arg4: memref<32x79x1x128xi32, #tpu.memory_space<hbm>>, %arg5: memref<2x10000x128xf32, #tpu.memory_space<hbm>>, %arg6: memref<128xi32, #tpu.memory_space<vmem>>, %arg7: memref<128xi32, #tpu.memory_space<vmem>>, %arg8: memref<128xi32, #tpu.memory_space<vmem>>, %arg9: memref<128xi32, #tpu.memory_space<vmem>>, %arg10: memref<128xi32, #tpu.memory_space<vmem>>, %arg11: memref<128xi32, #tpu.memory_space<vmem>>, %arg12: memref<128x128xf32, #tpu.memory_space<vmem>>, %arg13: memref<128x128xf32, #tpu.memory_space<vmem>>, %arg14: memref<128x128xf32, #tpu.memory_space<vmem>>, %arg15: memref<10016x128xf32, #tpu.memory_space<vmem_shared>>, %arg16: memref<!tpu.dma_semaphore, #tpu.memory_space<semaphore_mem>>, %arg17: memref<!tpu.dma_semaphore, #tpu.memory_space<semaphore_mem>>, %arg18: memref<!tpu.dma_semaphore, #tpu.memory_space<semaphore_mem>>, %arg19: memref<!tpu.dma_semaphore, #tpu.memory_space<semaphore_mem>>, %arg20: memref<!tpu.dma_semaphore, #tpu.memory_space<semaphore_mem>>, %arg21: memref<!tpu.dma_semaphore, #tpu.memory_space<semaphore_mem>>, %arg22: memref<!tpu.dma_semaphore, #tpu.memory_space<semaphore_mem>>, %arg23: memref<!tpu.dma_semaphore, #tpu.memory_space<semaphore_mem>>, %arg24: memref<!tpu.dma_semaphore, #tpu.memory_space<semaphore_mem>>, %arg25: memref<!tpu.dma_semaphore, #tpu.memory_space<semaphore_mem>>, %arg26: memref<!tpu.dma_semaphore, #tpu.memory_space<semaphore_mem>>, %arg27: memref<!tpu.dma_semaphore, #tpu.memory_space<semaphore_mem>>) attributes {dimension_semantics = [#tpu.dimension_semantics<core_parallel>, #tpu.dimension_semantics<subcore_parallel>], iteration_bounds = array<i64: 2, 16>, scalar_prefetch = 0 : i64, scratch_operands = 22 : i64, tpu.core_type = #tpu.core_type<sc_vector_subcore>, window_params = [{transform_indices = #map}, {transform_indices = #map1}, {transform_indices = #map1}, {transform_indices = #map2}]} {
    %mul3A = arith.constant 16 : i32
    %mul3A_0 = arith.muli %arg0, %mul3A : i32
    %add3A = arith.addi %mul3A_0, %arg1 : i32
    %mul3A_1 = arith.constant 624 : i32
    %mul3A_2 = arith.muli %arg1, %mul3A_1 : i32
    "tpu.region"() ({
      %run_scoped3A_57 = tpu.sem_alloc : memref<!tpu.dma_semaphore, #tpu.memory_space<semaphore_mem>>
      %dma_start3A_58 = arith.constant 0 : i32
      %dma_start3A_59 = tpu.memref_slice %arg15[%mul3A_2, %dma_start3A_58] : memref<10016x128xf32, #tpu.memory_space<vmem_shared>> -> memref<624x128xf32, #tpu.memory_space<vmem_shared>>
      %dma_start3A_60 = arith.constant 0 : i32
      %dma_start3A_61 = tpu.memref_slice %arg2[%mul3A_2, %dma_start3A_60] : memref<10000x128xf32, #tpu.memory_space<hbm>> -> memref<624x128xf32, #tpu.memory_space<hbm>>
      tpu.enqueue_dma source(%dma_start3A_61 : memref<624x128xf32, #tpu.memory_space<hbm>>) target(%dma_start3A_59 : memref<624x128xf32, #tpu.memory_space<vmem_shared>>) target_semaphore(%run_scoped3A_57 : memref<!tpu.dma_semaphore, #tpu.memory_space<semaphore_mem>>)
      %dma_wait3A_62 = arith.constant 0 : i32
      %dma_wait3A_63 = tpu.memref_slice %arg15[%mul3A_2, %dma_wait3A_62] : memref<10016x128xf32, #tpu.memory_space<vmem_shared>> -> memref<624x128xf32, #tpu.memory_space<vmem_shared>>
      %dma_wait3A_64 = arith.constant 0 : i32
      %dma_wait3A_65 = tpu.memref_slice %arg2[%mul3A_2, %dma_wait3A_64] : memref<10000x128xf32, #tpu.memory_space<hbm>> -> memref<624x128xf32, #tpu.memory_space<hbm>>
      tpu.wait_dma2 semaphore(%run_scoped3A_57 : memref<!tpu.dma_semaphore, #tpu.memory_space<semaphore_mem>>) src(%dma_wait3A_65 : memref<624x128xf32, #tpu.memory_space<hbm>>) dst(%dma_wait3A_63 : memref<624x128xf32, #tpu.memory_space<vmem_shared>>)
      tpu.yield
    }) : () -> ()
    %eq3A = arith.constant 0 : i32
    %eq3A_3 = arith.cmpi eq, %arg1, %eq3A : i32
    %convert_element_type3A = arith.extui %eq3A_3 : i1 to i32
    %cond3A = arith.constant 0 : i32
    %cond3A_4 = arith.cmpi ne, %convert_element_type3A, %cond3A : i32
    scf.if %cond3A_4 {
      "tpu.region"() ({
        %run_scoped3A_57 = tpu.sem_alloc : memref<!tpu.dma_semaphore, #tpu.memory_space<semaphore_mem>>
        %dma_start3A_58 = arith.constant 9984 : i32
        %dma_start3A_59 = arith.constant 0 : i32
        %dma_start3A_60 = tpu.memref_slice %arg15[%dma_start3A_58, %dma_start3A_59] : memref<10016x128xf32, #tpu.memory_space<vmem_shared>> -> memref<16x128xf32, #tpu.memory_space<vmem_shared>>
        %dma_start3A_61 = arith.constant 9984 : i32
        %dma_start3A_62 = arith.constant 0 : i32
        %dma_start3A_63 = tpu.memref_slice %arg2[%dma_start3A_61, %dma_start3A_62] : memref<10000x128xf32, #tpu.memory_space<hbm>> -> memref<16x128xf32, #tpu.memory_space<hbm>>
        tpu.enqueue_dma source(%dma_start3A_63 : memref<16x128xf32, #tpu.memory_space<hbm>>) target(%dma_start3A_60 : memref<16x128xf32, #tpu.memory_space<vmem_shared>>) target_semaphore(%run_scoped3A_57 : memref<!tpu.dma_semaphore, #tpu.memory_space<semaphore_mem>>)
        %dma_wait3A_64 = arith.constant 9984 : i32
        %dma_wait3A_65 = arith.constant 0 : i32
        %dma_wait3A_66 = tpu.memref_slice %arg15[%dma_wait3A_64, %dma_wait3A_65] : memref<10016x128xf32, #tpu.memory_space<vmem_shared>> -> memref<16x128xf32, #tpu.memory_space<vmem_shared>>
        %dma_wait3A_67 = arith.constant 9984 : i32
        %dma_wait3A_68 = arith.constant 0 : i32
        %dma_wait3A_69 = tpu.memref_slice %arg2[%dma_wait3A_67, %dma_wait3A_68] : memref<10000x128xf32, #tpu.memory_space<hbm>> -> memref<16x128xf32, #tpu.memory_space<hbm>>
        tpu.wait_dma2 semaphore(%run_scoped3A_57 : memref<!tpu.dma_semaphore, #tpu.memory_space<semaphore_mem>>) src(%dma_wait3A_69 : memref<16x128xf32, #tpu.memory_space<hbm>>) dst(%dma_wait3A_66 : memref<16x128xf32, #tpu.memory_space<vmem_shared>>)
        tpu.yield
      }) : () -> ()
    } else {
    }
    %barrier3A = arith.constant 0 : index
    tpu.barrier barrier_id(%barrier3A)
    %run_scoped3A = arith.constant 0 : i32
    %run_scoped3A_5 = arith.constant 0 : i32
    "tpu.region"() ({
      %run_scoped3A_57 = tpu.sem_alloc : memref<!tpu.dma_semaphore, #tpu.memory_space<semaphore_mem>>
      %dma_start3A_58 = arith.constant 0 : i32
      %dma_start3A_59 = tpu.memref_slice %arg3[%add3A, %run_scoped3A, %run_scoped3A_5, %dma_start3A_58] : memref<32x79x1x128xi32, #tpu.memory_space<hbm>> -> memref<1x1x1x128xi32, #tpu.memory_space<hbm>>
      %dma_start3A_60 = tpu.memref_squeeze %dma_start3A_59 : memref<1x1x1x128xi32, #tpu.memory_space<hbm>> -> memref<128xi32, #tpu.memory_space<hbm>>
      %dma_start3A_61 = arith.constant 0 : i32
      %dma_start3A_62 = tpu.memref_slice %arg3[%add3A, %run_scoped3A, %run_scoped3A_5, %dma_start3A_61] : memref<32x79x1x128xi32, #tpu.memory_space<hbm>> -> memref<1x1x1x128xi32, #tpu.memory_space<hbm>>
      %dma_start3A_63 = tpu.memref_squeeze %dma_start3A_62 : memref<1x1x1x128xi32, #tpu.memory_space<hbm>> -> memref<128xi32, #tpu.memory_space<hbm>>
      tpu.enqueue_dma source(%dma_start3A_63 : memref<128xi32, #tpu.memory_space<hbm>>) target(%arg6 : memref<128xi32, #tpu.memory_space<vmem>>) target_semaphore(%run_scoped3A_57 : memref<!tpu.dma_semaphore, #tpu.memory_space<semaphore_mem>>)
      %dma_wait3A_64 = arith.constant 0 : i32
      %dma_wait3A_65 = tpu.memref_slice %arg3[%add3A, %run_scoped3A, %run_scoped3A_5, %dma_wait3A_64] : memref<32x79x1x128xi32, #tpu.memory_space<hbm>> -> memref<1x1x1x128xi32, #tpu.memory_space<hbm>>
      %dma_wait3A_66 = tpu.memref_squeeze %dma_wait3A_65 : memref<1x1x1x128xi32, #tpu.memory_space<hbm>> -> memref<128xi32, #tpu.memory_space<hbm>>
      %dma_wait3A_67 = arith.constant 0 : i32
      %dma_wait3A_68 = tpu.memref_slice %arg3[%add3A, %run_scoped3A, %run_scoped3A_5, %dma_wait3A_67] : memref<32x79x1x128xi32, #tpu.memory_space<hbm>> -> memref<1x1x1x128xi32, #tpu.memory_space<hbm>>
      %dma_wait3A_69 = tpu.memref_squeeze %dma_wait3A_68 : memref<1x1x1x128xi32, #tpu.memory_space<hbm>> -> memref<128xi32, #tpu.memory_space<hbm>>
      tpu.wait_dma2 semaphore(%run_scoped3A_57 : memref<!tpu.dma_semaphore, #tpu.memory_space<semaphore_mem>>) src(%dma_wait3A_69 : memref<128xi32, #tpu.memory_space<hbm>>) dst(%arg6 : memref<128xi32, #tpu.memory_space<vmem>>)
      tpu.yield
    }) : () -> ()
    %run_scoped3A_6 = arith.constant 0 : i32
    %run_scoped3A_7 = arith.constant 0 : i32
    "tpu.region"() ({
      %run_scoped3A_57 = tpu.sem_alloc : memref<!tpu.dma_semaphore, #tpu.memory_space<semaphore_mem>>
      %dma_start3A_58 = arith.constant 0 : i32
      %dma_start3A_59 = tpu.memref_slice %arg4[%add3A, %run_scoped3A_6, %run_scoped3A_7, %dma_start3A_58] : memref<32x79x1x128xi32, #tpu.memory_space<hbm>> -> memref<1x1x1x128xi32, #tpu.memory_space<hbm>>
      %dma_start3A_60 = tpu.memref_squeeze %dma_start3A_59 : memref<1x1x1x128xi32, #tpu.memory_space<hbm>> -> memref<128xi32, #tpu.memory_space<hbm>>
      %dma_start3A_61 = arith.constant 0 : i32
      %dma_start3A_62 = tpu.memref_slice %arg4[%add3A, %run_scoped3A_6, %run_scoped3A_7, %dma_start3A_61] : memref<32x79x1x128xi32, #tpu.memory_space<hbm>> -> memref<1x1x1x128xi32, #tpu.memory_space<hbm>>
      %dma_start3A_63 = tpu.memref_squeeze %dma_start3A_62 : memref<1x1x1x128xi32, #tpu.memory_space<hbm>> -> memref<128xi32, #tpu.memory_space<hbm>>
      tpu.enqueue_dma source(%dma_start3A_63 : memref<128xi32, #tpu.memory_space<hbm>>) target(%arg9 : memref<128xi32, #tpu.memory_space<vmem>>) target_semaphore(%run_scoped3A_57 : memref<!tpu.dma_semaphore, #tpu.memory_space<semaphore_mem>>)
      %dma_wait3A_64 = arith.constant 0 : i32
      %dma_wait3A_65 = tpu.memref_slice %arg4[%add3A, %run_scoped3A_6, %run_scoped3A_7, %dma_wait3A_64] : memref<32x79x1x128xi32, #tpu.memory_space<hbm>> -> memref<1x1x1x128xi32, #tpu.memory_space<hbm>>
      %dma_wait3A_66 = tpu.memref_squeeze %dma_wait3A_65 : memref<1x1x1x128xi32, #tpu.memory_space<hbm>> -> memref<128xi32, #tpu.memory_space<hbm>>
      %dma_wait3A_67 = arith.constant 0 : i32
      %dma_wait3A_68 = tpu.memref_slice %arg4[%add3A, %run_scoped3A_6, %run_scoped3A_7, %dma_wait3A_67] : memref<32x79x1x128xi32, #tpu.memory_space<hbm>> -> memref<1x1x1x128xi32, #tpu.memory_space<hbm>>
      %dma_wait3A_69 = tpu.memref_squeeze %dma_wait3A_68 : memref<1x1x1x128xi32, #tpu.memory_space<hbm>> -> memref<128xi32, #tpu.memory_space<hbm>>
      tpu.wait_dma2 semaphore(%run_scoped3A_57 : memref<!tpu.dma_semaphore, #tpu.memory_space<semaphore_mem>>) src(%dma_wait3A_69 : memref<128xi32, #tpu.memory_space<hbm>>) dst(%arg9 : memref<128xi32, #tpu.memory_space<vmem>>)
      tpu.yield
    }) : () -> ()
    %dma_start3A = arith.constant 0 : i32
    %dma_start3A_8 = arith.constant 0 : i32
    %dma_start3A_9 = tpu.memref_slice %arg2[%dma_start3A, %dma_start3A_8] : memref<10000x128xf32, #tpu.memory_space<hbm>> -> memref<10000x128xf32, #tpu.memory_space<hbm>>
    tpu.enqueue_indirect_dma source(%dma_start3A_9 : memref<10000x128xf32, #tpu.memory_space<hbm>>) target(%arg12 : memref<128x128xf32, #tpu.memory_space<vmem>>) offsets(%arg6 : memref<128xi32, #tpu.memory_space<vmem>>) semaphore(%arg16 : memref<!tpu.dma_semaphore, #tpu.memory_space<semaphore_mem>>)
    %run_scoped3A_10 = arith.constant 1 : i32
    %run_scoped3A_11 = arith.constant 0 : i32
    "tpu.region"() ({
      %run_scoped3A_57 = tpu.sem_alloc : memref<!tpu.dma_semaphore, #tpu.memory_space<semaphore_mem>>
      %dma_start3A_58 = arith.constant 0 : i32
      %dma_start3A_59 = tpu.memref_slice %arg3[%add3A, %run_scoped3A_10, %run_scoped3A_11, %dma_start3A_58] : memref<32x79x1x128xi32, #tpu.memory_space<hbm>> -> memref<1x1x1x128xi32, #tpu.memory_space<hbm>>
      %dma_start3A_60 = tpu.memref_squeeze %dma_start3A_59 : memref<1x1x1x128xi32, #tpu.memory_space<hbm>> -> memref<128xi32, #tpu.memory_space<hbm>>
      %dma_start3A_61 = arith.constant 0 : i32
      %dma_start3A_62 = tpu.memref_slice %arg3[%add3A, %run_scoped3A_10, %run_scoped3A_11, %dma_start3A_61] : memref<32x79x1x128xi32, #tpu.memory_space<hbm>> -> memref<1x1x1x128xi32, #tpu.memory_space<hbm>>
      %dma_start3A_63 = tpu.memref_squeeze %dma_start3A_62 : memref<1x1x1x128xi32, #tpu.memory_space<hbm>> -> memref<128xi32, #tpu.memory_space<hbm>>
      tpu.enqueue_dma source(%dma_start3A_63 : memref<128xi32, #tpu.memory_space<hbm>>) target(%arg7 : memref<128xi32, #tpu.memory_space<vmem>>) target_semaphore(%run_scoped3A_57 : memref<!tpu.dma_semaphore, #tpu.memory_space<semaphore_mem>>)
      %dma_wait3A_64 = arith.constant 0 : i32
      %dma_wait3A_65 = tpu.memref_slice %arg3[%add3A, %run_scoped3A_10, %run_scoped3A_11, %dma_wait3A_64] : memref<32x79x1x128xi32, #tpu.memory_space<hbm>> -> memref<1x1x1x128xi32, #tpu.memory_space<hbm>>
      %dma_wait3A_66 = tpu.memref_squeeze %dma_wait3A_65 : memref<1x1x1x128xi32, #tpu.memory_space<hbm>> -> memref<128xi32, #tpu.memory_space<hbm>>
      %dma_wait3A_67 = arith.constant 0 : i32
      %dma_wait3A_68 = tpu.memref_slice %arg3[%add3A, %run_scoped3A_10, %run_scoped3A_11, %dma_wait3A_67] : memref<32x79x1x128xi32, #tpu.memory_space<hbm>> -> memref<1x1x1x128xi32, #tpu.memory_space<hbm>>
      %dma_wait3A_69 = tpu.memref_squeeze %dma_wait3A_68 : memref<1x1x1x128xi32, #tpu.memory_space<hbm>> -> memref<128xi32, #tpu.memory_space<hbm>>
      tpu.wait_dma2 semaphore(%run_scoped3A_57 : memref<!tpu.dma_semaphore, #tpu.memory_space<semaphore_mem>>) src(%dma_wait3A_69 : memref<128xi32, #tpu.memory_space<hbm>>) dst(%arg7 : memref<128xi32, #tpu.memory_space<vmem>>)
      tpu.yield
    }) : () -> ()
    %run_scoped3A_12 = arith.constant 1 : i32
    %run_scoped3A_13 = arith.constant 0 : i32
    "tpu.region"() ({
      %run_scoped3A_57 = tpu.sem_alloc : memref<!tpu.dma_semaphore, #tpu.memory_space<semaphore_mem>>
      %dma_start3A_58 = arith.constant 0 : i32
      %dma_start3A_59 = tpu.memref_slice %arg4[%add3A, %run_scoped3A_12, %run_scoped3A_13, %dma_start3A_58] : memref<32x79x1x128xi32, #tpu.memory_space<hbm>> -> memref<1x1x1x128xi32, #tpu.memory_space<hbm>>
      %dma_start3A_60 = tpu.memref_squeeze %dma_start3A_59 : memref<1x1x1x128xi32, #tpu.memory_space<hbm>> -> memref<128xi32, #tpu.memory_space<hbm>>
      %dma_start3A_61 = arith.constant 0 : i32
      %dma_start3A_62 = tpu.memref_slice %arg4[%add3A, %run_scoped3A_12, %run_scoped3A_13, %dma_start3A_61] : memref<32x79x1x128xi32, #tpu.memory_space<hbm>> -> memref<1x1x1x128xi32, #tpu.memory_space<hbm>>
      %dma_start3A_63 = tpu.memref_squeeze %dma_start3A_62 : memref<1x1x1x128xi32, #tpu.memory_space<hbm>> -> memref<128xi32, #tpu.memory_space<hbm>>
      tpu.enqueue_dma source(%dma_start3A_63 : memref<128xi32, #tpu.memory_space<hbm>>) target(%arg10 : memref<128xi32, #tpu.memory_space<vmem>>) target_semaphore(%run_scoped3A_57 : memref<!tpu.dma_semaphore, #tpu.memory_space<semaphore_mem>>)
      %dma_wait3A_64 = arith.constant 0 : i32
      %dma_wait3A_65 = tpu.memref_slice %arg4[%add3A, %run_scoped3A_12, %run_scoped3A_13, %dma_wait3A_64] : memref<32x79x1x128xi32, #tpu.memory_space<hbm>> -> memref<1x1x1x128xi32, #tpu.memory_space<hbm>>
      %dma_wait3A_66 = tpu.memref_squeeze %dma_wait3A_65 : memref<1x1x1x128xi32, #tpu.memory_space<hbm>> -> memref<128xi32, #tpu.memory_space<hbm>>
      %dma_wait3A_67 = arith.constant 0 : i32
      %dma_wait3A_68 = tpu.memref_slice %arg4[%add3A, %run_scoped3A_12, %run_scoped3A_13, %dma_wait3A_67] : memref<32x79x1x128xi32, #tpu.memory_space<hbm>> -> memref<1x1x1x128xi32, #tpu.memory_space<hbm>>
      %dma_wait3A_69 = tpu.memref_squeeze %dma_wait3A_68 : memref<1x1x1x128xi32, #tpu.memory_space<hbm>> -> memref<128xi32, #tpu.memory_space<hbm>>
      tpu.wait_dma2 semaphore(%run_scoped3A_57 : memref<!tpu.dma_semaphore, #tpu.memory_space<semaphore_mem>>) src(%dma_wait3A_69 : memref<128xi32, #tpu.memory_space<hbm>>) dst(%arg10 : memref<128xi32, #tpu.memory_space<vmem>>)
      tpu.yield
    }) : () -> ()
    %dma_start3A_14 = arith.constant 0 : i32
    %dma_start3A_15 = arith.constant 0 : i32
    %dma_start3A_16 = tpu.memref_slice %arg2[%dma_start3A_14, %dma_start3A_15] : memref<10000x128xf32, #tpu.memory_space<hbm>> -> memref<10000x128xf32, #tpu.memory_space<hbm>>
    tpu.enqueue_indirect_dma source(%dma_start3A_16 : memref<10000x128xf32, #tpu.memory_space<hbm>>) target(%arg13 : memref<128x128xf32, #tpu.memory_space<vmem>>) offsets(%arg7 : memref<128xi32, #tpu.memory_space<vmem>>) semaphore(%arg17 : memref<!tpu.dma_semaphore, #tpu.memory_space<semaphore_mem>>)
    %run_scoped3A_17 = arith.constant 2 : i32
    %run_scoped3A_18 = arith.constant 0 : i32
    "tpu.region"() ({
      %run_scoped3A_57 = tpu.sem_alloc : memref<!tpu.dma_semaphore, #tpu.memory_space<semaphore_mem>>
      %dma_start3A_58 = arith.constant 0 : i32
      %dma_start3A_59 = tpu.memref_slice %arg3[%add3A, %run_scoped3A_17, %run_scoped3A_18, %dma_start3A_58] : memref<32x79x1x128xi32, #tpu.memory_space<hbm>> -> memref<1x1x1x128xi32, #tpu.memory_space<hbm>>
      %dma_start3A_60 = tpu.memref_squeeze %dma_start3A_59 : memref<1x1x1x128xi32, #tpu.memory_space<hbm>> -> memref<128xi32, #tpu.memory_space<hbm>>
      %dma_start3A_61 = arith.constant 0 : i32
      %dma_start3A_62 = tpu.memref_slice %arg3[%add3A, %run_scoped3A_17, %run_scoped3A_18, %dma_start3A_61] : memref<32x79x1x128xi32, #tpu.memory_space<hbm>> -> memref<1x1x1x128xi32, #tpu.memory_space<hbm>>
      %dma_start3A_63 = tpu.memref_squeeze %dma_start3A_62 : memref<1x1x1x128xi32, #tpu.memory_space<hbm>> -> memref<128xi32, #tpu.memory_space<hbm>>
      tpu.enqueue_dma source(%dma_start3A_63 : memref<128xi32, #tpu.memory_space<hbm>>) target(%arg8 : memref<128xi32, #tpu.memory_space<vmem>>) target_semaphore(%run_scoped3A_57 : memref<!tpu.dma_semaphore, #tpu.memory_space<semaphore_mem>>)
      %dma_wait3A_64 = arith.constant 0 : i32
      %dma_wait3A_65 = tpu.memref_slice %arg3[%add3A, %run_scoped3A_17, %run_scoped3A_18, %dma_wait3A_64] : memref<32x79x1x128xi32, #tpu.memory_space<hbm>> -> memref<1x1x1x128xi32, #tpu.memory_space<hbm>>
      %dma_wait3A_66 = tpu.memref_squeeze %dma_wait3A_65 : memref<1x1x1x128xi32, #tpu.memory_space<hbm>> -> memref<128xi32, #tpu.memory_space<hbm>>
      %dma_wait3A_67 = arith.constant 0 : i32
      %dma_wait3A_68 = tpu.memref_slice %arg3[%add3A, %run_scoped3A_17, %run_scoped3A_18, %dma_wait3A_67] : memref<32x79x1x128xi32, #tpu.memory_space<hbm>> -> memref<1x1x1x128xi32, #tpu.memory_space<hbm>>
      %dma_wait3A_69 = tpu.memref_squeeze %dma_wait3A_68 : memref<1x1x1x128xi32, #tpu.memory_space<hbm>> -> memref<128xi32, #tpu.memory_space<hbm>>
      tpu.wait_dma2 semaphore(%run_scoped3A_57 : memref<!tpu.dma_semaphore, #tpu.memory_space<semaphore_mem>>) src(%dma_wait3A_69 : memref<128xi32, #tpu.memory_space<hbm>>) dst(%arg8 : memref<128xi32, #tpu.memory_space<vmem>>)
      tpu.yield
    }) : () -> ()
    %run_scoped3A_19 = arith.constant 2 : i32
    %run_scoped3A_20 = arith.constant 0 : i32
    "tpu.region"() ({
      %run_scoped3A_57 = tpu.sem_alloc : memref<!tpu.dma_semaphore, #tpu.memory_space<semaphore_mem>>
      %dma_start3A_58 = arith.constant 0 : i32
      %dma_start3A_59 = tpu.memref_slice %arg4[%add3A, %run_scoped3A_19, %run_scoped3A_20, %dma_start3A_58] : memref<32x79x1x128xi32, #tpu.memory_space<hbm>> -> memref<1x1x1x128xi32, #tpu.memory_space<hbm>>
      %dma_start3A_60 = tpu.memref_squeeze %dma_start3A_59 : memref<1x1x1x128xi32, #tpu.memory_space<hbm>> -> memref<128xi32, #tpu.memory_space<hbm>>
      %dma_start3A_61 = arith.constant 0 : i32
      %dma_start3A_62 = tpu.memref_slice %arg4[%add3A, %run_scoped3A_19, %run_scoped3A_20, %dma_start3A_61] : memref<32x79x1x128xi32, #tpu.memory_space<hbm>> -> memref<1x1x1x128xi32, #tpu.memory_space<hbm>>
      %dma_start3A_63 = tpu.memref_squeeze %dma_start3A_62 : memref<1x1x1x128xi32, #tpu.memory_space<hbm>> -> memref<128xi32, #tpu.memory_space<hbm>>
      tpu.enqueue_dma source(%dma_start3A_63 : memref<128xi32, #tpu.memory_space<hbm>>) target(%arg11 : memref<128xi32, #tpu.memory_space<vmem>>) target_semaphore(%run_scoped3A_57 : memref<!tpu.dma_semaphore, #tpu.memory_space<semaphore_mem>>)
      %dma_wait3A_64 = arith.constant 0 : i32
      %dma_wait3A_65 = tpu.memref_slice %arg4[%add3A, %run_scoped3A_19, %run_scoped3A_20, %dma_wait3A_64] : memref<32x79x1x128xi32, #tpu.memory_space<hbm>> -> memref<1x1x1x128xi32, #tpu.memory_space<hbm>>
      %dma_wait3A_66 = tpu.memref_squeeze %dma_wait3A_65 : memref<1x1x1x128xi32, #tpu.memory_space<hbm>> -> memref<128xi32, #tpu.memory_space<hbm>>
      %dma_wait3A_67 = arith.constant 0 : i32
      %dma_wait3A_68 = tpu.memref_slice %arg4[%add3A, %run_scoped3A_19, %run_scoped3A_20, %dma_wait3A_67] : memref<32x79x1x128xi32, #tpu.memory_space<hbm>> -> memref<1x1x1x128xi32, #tpu.memory_space<hbm>>
      %dma_wait3A_69 = tpu.memref_squeeze %dma_wait3A_68 : memref<1x1x1x128xi32, #tpu.memory_space<hbm>> -> memref<128xi32, #tpu.memory_space<hbm>>
      tpu.wait_dma2 semaphore(%run_scoped3A_57 : memref<!tpu.dma_semaphore, #tpu.memory_space<semaphore_mem>>) src(%dma_wait3A_69 : memref<128xi32, #tpu.memory_space<hbm>>) dst(%arg11 : memref<128xi32, #tpu.memory_space<vmem>>)
      tpu.yield
    }) : () -> ()
    %dma_start3A_21 = arith.constant 0 : i32
    %dma_start3A_22 = arith.constant 0 : i32
    %dma_start3A_23 = tpu.memref_slice %arg2[%dma_start3A_21, %dma_start3A_22] : memref<10000x128xf32, #tpu.memory_space<hbm>> -> memref<10000x128xf32, #tpu.memory_space<hbm>>
    tpu.enqueue_indirect_dma source(%dma_start3A_23 : memref<10000x128xf32, #tpu.memory_space<hbm>>) target(%arg14 : memref<128x128xf32, #tpu.memory_space<vmem>>) offsets(%arg8 : memref<128xi32, #tpu.memory_space<vmem>>) semaphore(%arg18 : memref<!tpu.dma_semaphore, #tpu.memory_space<semaphore_mem>>)
    %scan3A = arith.constant 0 : i32
    %scan3A_24 = arith.constant 0 : i32
    %scan3A_25 = arith.constant 26 : i32
    %scan3A_26 = arith.addi %scan3A_24, %scan3A_25 : i32
    %scan3A_27 = arith.constant 1 : i32
    scf.for %scan3A_57 = %scan3A_24 to %scan3A_26 step %scan3A_27  : i32 {
      %mul3A_58 = arith.constant 3 : i32
      %mul3A_59 = arith.muli %scan3A_57, %mul3A_58 : i32
      %add3A_60 = arith.constant 0 : i32
      %add3A_61 = arith.addi %mul3A_59, %add3A_60 : i32
      %dma_wait3A_62 = arith.constant 0 : i32
      %dma_wait3A_63 = arith.constant 0 : i32
      %dma_wait3A_64 = tpu.memref_slice %arg2[%dma_wait3A_62, %dma_wait3A_63] : memref<10000x128xf32, #tpu.memory_space<hbm>> -> memref<10000x128xf32, #tpu.memory_space<hbm>>
      tpu.wait_indirect_dma semaphore(%arg16 : memref<!tpu.dma_semaphore, #tpu.memory_space<semaphore_mem>>) src(%dma_wait3A_64 : memref<10000x128xf32, #tpu.memory_space<hbm>>) dst(%arg12 : memref<128x128xf32, #tpu.memory_space<vmem>>)
      %add3A_65 = arith.constant 3 : i32
      %add3A_66 = arith.addi %add3A_61, %add3A_65 : i32
      %lt3A = arith.constant 79 : i32
      %lt3A_67 = arith.cmpi slt, %add3A_66, %lt3A : i32
      %convert_element_type3A_68 = arith.extui %lt3A_67 : i1 to i32
      %cond3A_69 = arith.constant 0 : i32
      %cond3A_70 = arith.cmpi ne, %convert_element_type3A_68, %cond3A_69 : i32
      scf.if %cond3A_70 {
        %add3A_156 = arith.constant 3 : i32
        %add3A_157 = arith.addi %add3A_61, %add3A_156 : i32
        %dma_start3A_158 = arith.constant 0 : i32
        %dma_start3A_159 = arith.constant 0 : i32
        %dma_start3A_160 = tpu.memref_slice %arg3[%add3A, %add3A_157, %dma_start3A_158, %dma_start3A_159] : memref<32x79x1x128xi32, #tpu.memory_space<hbm>> -> memref<1x1x1x128xi32, #tpu.memory_space<hbm>>
        %dma_start3A_161 = tpu.memref_squeeze %dma_start3A_160 : memref<1x1x1x128xi32, #tpu.memory_space<hbm>> -> memref<128xi32, #tpu.memory_space<hbm>>
        %dma_start3A_162 = arith.constant 0 : i32
        %dma_start3A_163 = tpu.memref_slice %arg3[%add3A, %add3A_157, %dma_start3A_158, %dma_start3A_162] : memref<32x79x1x128xi32, #tpu.memory_space<hbm>> -> memref<1x1x1x128xi32, #tpu.memory_space<hbm>>
        %dma_start3A_164 = tpu.memref_squeeze %dma_start3A_163 : memref<1x1x1x128xi32, #tpu.memory_space<hbm>> -> memref<128xi32, #tpu.memory_space<hbm>>
        tpu.enqueue_dma source(%dma_start3A_164 : memref<128xi32, #tpu.memory_space<hbm>>) target(%arg6 : memref<128xi32, #tpu.memory_space<vmem>>) target_semaphore(%arg19 : memref<!tpu.dma_semaphore, #tpu.memory_space<semaphore_mem>>)
      } else {
      }
      %ge3A = arith.constant 3 : i32
      %ge3A_71 = arith.cmpi sge, %add3A_61, %ge3A : i32
      %convert_element_type3A_72 = arith.extui %ge3A_71 : i1 to i32
      %cond3A_73 = arith.constant 0 : i32
      %cond3A_74 = arith.cmpi ne, %convert_element_type3A_72, %cond3A_73 : i32
      scf.if %cond3A_74 {
        %dma_wait3A_156 = arith.constant 0 : i32
        %dma_wait3A_157 = arith.constant 0 : i32
        %dma_wait3A_158 = tpu.memref_slice %arg4[%add3A, %add3A_61, %dma_wait3A_156, %dma_wait3A_157] : memref<32x79x1x128xi32, #tpu.memory_space<hbm>> -> memref<1x1x1x128xi32, #tpu.memory_space<hbm>>
        %dma_wait3A_159 = tpu.memref_squeeze %dma_wait3A_158 : memref<1x1x1x128xi32, #tpu.memory_space<hbm>> -> memref<128xi32, #tpu.memory_space<hbm>>
        %dma_wait3A_160 = arith.constant 0 : i32
        %dma_wait3A_161 = tpu.memref_slice %arg4[%add3A, %add3A_61, %dma_wait3A_156, %dma_wait3A_160] : memref<32x79x1x128xi32, #tpu.memory_space<hbm>> -> memref<1x1x1x128xi32, #tpu.memory_space<hbm>>
        %dma_wait3A_162 = tpu.memref_squeeze %dma_wait3A_161 : memref<1x1x1x128xi32, #tpu.memory_space<hbm>> -> memref<128xi32, #tpu.memory_space<hbm>>
        tpu.wait_dma2 semaphore(%arg22 : memref<!tpu.dma_semaphore, #tpu.memory_space<semaphore_mem>>) src(%dma_wait3A_162 : memref<128xi32, #tpu.memory_space<hbm>>) dst(%arg9 : memref<128xi32, #tpu.memory_space<vmem>>)
      } else {
      }
      %dma_start3A_75 = arith.constant 0 : i32
      %dma_start3A_76 = arith.constant 0 : i32
      %dma_start3A_77 = tpu.memref_slice %arg15[%dma_start3A_75, %dma_start3A_76] : memref<10016x128xf32, #tpu.memory_space<vmem_shared>> -> memref<10016x128xf32, #tpu.memory_space<vmem_shared>>
      tpu.enqueue_indirect_dma source(%arg12 : memref<128x128xf32, #tpu.memory_space<vmem>>) target(%dma_start3A_77 : memref<10016x128xf32, #tpu.memory_space<vmem_shared>>) offsets(%arg9 : memref<128xi32, #tpu.memory_space<vmem>>) semaphore(%arg25 : memref<!tpu.dma_semaphore, #tpu.memory_space<semaphore_mem>>) {add = true}
      %ge3A_78 = arith.constant 1 : i32
      %ge3A_79 = arith.cmpi sge, %add3A_61, %ge3A_78 : i32
      %add3A_80 = arith.constant 3 : i32
      %add3A_81 = arith.addi %add3A_61, %add3A_80 : i32
      %sub3A = arith.constant 1 : i32
      %sub3A_82 = arith.subi %add3A_81, %sub3A : i32
      %lt3A_83 = arith.constant 79 : i32
      %lt3A_84 = arith.cmpi slt, %sub3A_82, %lt3A_83 : i32
      %and3A = arith.andi %ge3A_79, %lt3A_84 : i1
      %convert_element_type3A_85 = arith.extui %and3A : i1 to i32
      %cond3A_86 = arith.constant 0 : i32
      %cond3A_87 = arith.cmpi ne, %convert_element_type3A_85, %cond3A_86 : i32
      scf.if %cond3A_87 {
        %add3A_156 = arith.constant 3 : i32
        %add3A_157 = arith.addi %add3A_61, %add3A_156 : i32
        %sub3A_158 = arith.constant 1 : i32
        %sub3A_159 = arith.subi %add3A_157, %sub3A_158 : i32
        %dma_wait3A_160 = arith.constant 0 : i32
        %dma_wait3A_161 = arith.constant 0 : i32
        %dma_wait3A_162 = tpu.memref_slice %arg15[%dma_wait3A_160, %dma_wait3A_161] : memref<10016x128xf32, #tpu.memory_space<vmem_shared>> -> memref<10016x128xf32, #tpu.memory_space<vmem_shared>>
        tpu.wait_indirect_dma semaphore(%arg27 : memref<!tpu.dma_semaphore, #tpu.memory_space<semaphore_mem>>) src(%arg14 : memref<128x128xf32, #tpu.memory_space<vmem>>) dst(%dma_wait3A_162 : memref<10016x128xf32, #tpu.memory_space<vmem_shared>>)
        %dma_start3A_163 = arith.constant 0 : i32
        %dma_start3A_164 = arith.constant 0 : i32
        %dma_start3A_165 = tpu.memref_slice %arg4[%add3A, %sub3A_159, %dma_start3A_163, %dma_start3A_164] : memref<32x79x1x128xi32, #tpu.memory_space<hbm>> -> memref<1x1x1x128xi32, #tpu.memory_space<hbm>>
        %dma_start3A_166 = tpu.memref_squeeze %dma_start3A_165 : memref<1x1x1x128xi32, #tpu.memory_space<hbm>> -> memref<128xi32, #tpu.memory_space<hbm>>
        %dma_start3A_167 = arith.constant 0 : i32
        %dma_start3A_168 = tpu.memref_slice %arg4[%add3A, %sub3A_159, %dma_start3A_163, %dma_start3A_167] : memref<32x79x1x128xi32, #tpu.memory_space<hbm>> -> memref<1x1x1x128xi32, #tpu.memory_space<hbm>>
        %dma_start3A_169 = tpu.memref_squeeze %dma_start3A_168 : memref<1x1x1x128xi32, #tpu.memory_space<hbm>> -> memref<128xi32, #tpu.memory_space<hbm>>
        tpu.enqueue_dma source(%dma_start3A_169 : memref<128xi32, #tpu.memory_space<hbm>>) target(%arg11 : memref<128xi32, #tpu.memory_space<vmem>>) target_semaphore(%arg24 : memref<!tpu.dma_semaphore, #tpu.memory_space<semaphore_mem>>)
        %dma_wait3A_170 = arith.constant 0 : i32
        %dma_wait3A_171 = arith.constant 0 : i32
        %dma_wait3A_172 = tpu.memref_slice %arg3[%add3A, %sub3A_159, %dma_wait3A_170, %dma_wait3A_171] : memref<32x79x1x128xi32, #tpu.memory_space<hbm>> -> memref<1x1x1x128xi32, #tpu.memory_space<hbm>>
        %dma_wait3A_173 = tpu.memref_squeeze %dma_wait3A_172 : memref<1x1x1x128xi32, #tpu.memory_space<hbm>> -> memref<128xi32, #tpu.memory_space<hbm>>
        %dma_wait3A_174 = arith.constant 0 : i32
        %dma_wait3A_175 = tpu.memref_slice %arg3[%add3A, %sub3A_159, %dma_wait3A_170, %dma_wait3A_174] : memref<32x79x1x128xi32, #tpu.memory_space<hbm>> -> memref<1x1x1x128xi32, #tpu.memory_space<hbm>>
        %dma_wait3A_176 = tpu.memref_squeeze %dma_wait3A_175 : memref<1x1x1x128xi32, #tpu.memory_space<hbm>> -> memref<128xi32, #tpu.memory_space<hbm>>
        tpu.wait_dma2 semaphore(%arg21 : memref<!tpu.dma_semaphore, #tpu.memory_space<semaphore_mem>>) src(%dma_wait3A_176 : memref<128xi32, #tpu.memory_space<hbm>>) dst(%arg8 : memref<128xi32, #tpu.memory_space<vmem>>)
        %dma_start3A_177 = arith.constant 0 : i32
        %dma_start3A_178 = arith.constant 0 : i32
        %dma_start3A_179 = tpu.memref_slice %arg2[%dma_start3A_177, %dma_start3A_178] : memref<10000x128xf32, #tpu.memory_space<hbm>> -> memref<10000x128xf32, #tpu.memory_space<hbm>>
        tpu.enqueue_indirect_dma source(%dma_start3A_179 : memref<10000x128xf32, #tpu.memory_space<hbm>>) target(%arg14 : memref<128x128xf32, #tpu.memory_space<vmem>>) offsets(%arg8 : memref<128xi32, #tpu.memory_space<vmem>>) semaphore(%arg18 : memref<!tpu.dma_semaphore, #tpu.memory_space<semaphore_mem>>)
      } else {
      }
      %mul3A_88 = arith.constant 3 : i32
      %mul3A_89 = arith.muli %scan3A_57, %mul3A_88 : i32
      %add3A_90 = arith.constant 1 : i32
      %add3A_91 = arith.addi %mul3A_89, %add3A_90 : i32
      %dma_wait3A_92 = arith.constant 0 : i32
      %dma_wait3A_93 = arith.constant 0 : i32
      %dma_wait3A_94 = tpu.memref_slice %arg2[%dma_wait3A_92, %dma_wait3A_93] : memref<10000x128xf32, #tpu.memory_space<hbm>> -> memref<10000x128xf32, #tpu.memory_space<hbm>>
      tpu.wait_indirect_dma semaphore(%arg17 : memref<!tpu.dma_semaphore, #tpu.memory_space<semaphore_mem>>) src(%dma_wait3A_94 : memref<10000x128xf32, #tpu.memory_space<hbm>>) dst(%arg13 : memref<128x128xf32, #tpu.memory_space<vmem>>)
      %add3A_95 = arith.constant 3 : i32
      %add3A_96 = arith.addi %add3A_91, %add3A_95 : i32
      %lt3A_97 = arith.constant 79 : i32
      %lt3A_98 = arith.cmpi slt, %add3A_96, %lt3A_97 : i32
      %convert_element_type3A_99 = arith.extui %lt3A_98 : i1 to i32
      %cond3A_100 = arith.constant 0 : i32
      %cond3A_101 = arith.cmpi ne, %convert_element_type3A_99, %cond3A_100 : i32
      scf.if %cond3A_101 {
        %add3A_156 = arith.constant 3 : i32
        %add3A_157 = arith.addi %add3A_91, %add3A_156 : i32
        %dma_start3A_158 = arith.constant 0 : i32
        %dma_start3A_159 = arith.constant 0 : i32
        %dma_start3A_160 = tpu.memref_slice %arg3[%add3A, %add3A_157, %dma_start3A_158, %dma_start3A_159] : memref<32x79x1x128xi32, #tpu.memory_space<hbm>> -> memref<1x1x1x128xi32, #tpu.memory_space<hbm>>
        %dma_start3A_161 = tpu.memref_squeeze %dma_start3A_160 : memref<1x1x1x128xi32, #tpu.memory_space<hbm>> -> memref<128xi32, #tpu.memory_space<hbm>>
        %dma_start3A_162 = arith.constant 0 : i32
        %dma_start3A_163 = tpu.memref_slice %arg3[%add3A, %add3A_157, %dma_start3A_158, %dma_start3A_162] : memref<32x79x1x128xi32, #tpu.memory_space<hbm>> -> memref<1x1x1x128xi32, #tpu.memory_space<hbm>>
        %dma_start3A_164 = tpu.memref_squeeze %dma_start3A_163 : memref<1x1x1x128xi32, #tpu.memory_space<hbm>> -> memref<128xi32, #tpu.memory_space<hbm>>
        tpu.enqueue_dma source(%dma_start3A_164 : memref<128xi32, #tpu.memory_space<hbm>>) target(%arg7 : memref<128xi32, #tpu.memory_space<vmem>>) target_semaphore(%arg20 : memref<!tpu.dma_semaphore, #tpu.memory_space<semaphore_mem>>)
      } else {
      }
      %ge3A_102 = arith.constant 3 : i32
      %ge3A_103 = arith.cmpi sge, %add3A_91, %ge3A_102 : i32
      %convert_element_type3A_104 = arith.extui %ge3A_103 : i1 to i32
      %cond3A_105 = arith.constant 0 : i32
      %cond3A_106 = arith.cmpi ne, %convert_element_type3A_104, %cond3A_105 : i32
      scf.if %cond3A_106 {
        %dma_wait3A_156 = arith.constant 0 : i32
        %dma_wait3A_157 = arith.constant 0 : i32
        %dma_wait3A_158 = tpu.memref_slice %arg4[%add3A, %add3A_91, %dma_wait3A_156, %dma_wait3A_157] : memref<32x79x1x128xi32, #tpu.memory_space<hbm>> -> memref<1x1x1x128xi32, #tpu.memory_space<hbm>>
        %dma_wait3A_159 = tpu.memref_squeeze %dma_wait3A_158 : memref<1x1x1x128xi32, #tpu.memory_space<hbm>> -> memref<128xi32, #tpu.memory_space<hbm>>
        %dma_wait3A_160 = arith.constant 0 : i32
        %dma_wait3A_161 = tpu.memref_slice %arg4[%add3A, %add3A_91, %dma_wait3A_156, %dma_wait3A_160] : memref<32x79x1x128xi32, #tpu.memory_space<hbm>> -> memref<1x1x1x128xi32, #tpu.memory_space<hbm>>
        %dma_wait3A_162 = tpu.memref_squeeze %dma_wait3A_161 : memref<1x1x1x128xi32, #tpu.memory_space<hbm>> -> memref<128xi32, #tpu.memory_space<hbm>>
        tpu.wait_dma2 semaphore(%arg23 : memref<!tpu.dma_semaphore, #tpu.memory_space<semaphore_mem>>) src(%dma_wait3A_162 : memref<128xi32, #tpu.memory_space<hbm>>) dst(%arg10 : memref<128xi32, #tpu.memory_space<vmem>>)
      } else {
      }
      %dma_start3A_107 = arith.constant 0 : i32
      %dma_start3A_108 = arith.constant 0 : i32
      %dma_start3A_109 = tpu.memref_slice %arg15[%dma_start3A_107, %dma_start3A_108] : memref<10016x128xf32, #tpu.memory_space<vmem_shared>> -> memref<10016x128xf32, #tpu.memory_space<vmem_shared>>
      tpu.enqueue_indirect_dma source(%arg13 : memref<128x128xf32, #tpu.memory_space<vmem>>) target(%dma_start3A_109 : memref<10016x128xf32, #tpu.memory_space<vmem_shared>>) offsets(%arg10 : memref<128xi32, #tpu.memory_space<vmem>>) semaphore(%arg26 : memref<!tpu.dma_semaphore, #tpu.memory_space<semaphore_mem>>) {add = true}
      %ge3A_110 = arith.constant 1 : i32
      %ge3A_111 = arith.cmpi sge, %add3A_91, %ge3A_110 : i32
      %add3A_112 = arith.constant 3 : i32
      %add3A_113 = arith.addi %add3A_91, %add3A_112 : i32
      %sub3A_114 = arith.constant 1 : i32
      %sub3A_115 = arith.subi %add3A_113, %sub3A_114 : i32
      %lt3A_116 = arith.constant 79 : i32
      %lt3A_117 = arith.cmpi slt, %sub3A_115, %lt3A_116 : i32
      %and3A_118 = arith.andi %ge3A_111, %lt3A_117 : i1
      %convert_element_type3A_119 = arith.extui %and3A_118 : i1 to i32
      %cond3A_120 = arith.constant 0 : i32
      %cond3A_121 = arith.cmpi ne, %convert_element_type3A_119, %cond3A_120 : i32
      scf.if %cond3A_121 {
        %add3A_156 = arith.constant 3 : i32
        %add3A_157 = arith.addi %add3A_91, %add3A_156 : i32
        %sub3A_158 = arith.constant 1 : i32
        %sub3A_159 = arith.subi %add3A_157, %sub3A_158 : i32
        %dma_wait3A_160 = arith.constant 0 : i32
        %dma_wait3A_161 = arith.constant 0 : i32
        %dma_wait3A_162 = tpu.memref_slice %arg15[%dma_wait3A_160, %dma_wait3A_161] : memref<10016x128xf32, #tpu.memory_space<vmem_shared>> -> memref<10016x128xf32, #tpu.memory_space<vmem_shared>>
        tpu.wait_indirect_dma semaphore(%arg25 : memref<!tpu.dma_semaphore, #tpu.memory_space<semaphore_mem>>) src(%arg12 : memref<128x128xf32, #tpu.memory_space<vmem>>) dst(%dma_wait3A_162 : memref<10016x128xf32, #tpu.memory_space<vmem_shared>>)
        %dma_start3A_163 = arith.constant 0 : i32
        %dma_start3A_164 = arith.constant 0 : i32
        %dma_start3A_165 = tpu.memref_slice %arg4[%add3A, %sub3A_159, %dma_start3A_163, %dma_start3A_164] : memref<32x79x1x128xi32, #tpu.memory_space<hbm>> -> memref<1x1x1x128xi32, #tpu.memory_space<hbm>>
        %dma_start3A_166 = tpu.memref_squeeze %dma_start3A_165 : memref<1x1x1x128xi32, #tpu.memory_space<hbm>> -> memref<128xi32, #tpu.memory_space<hbm>>
        %dma_start3A_167 = arith.constant 0 : i32
        %dma_start3A_168 = tpu.memref_slice %arg4[%add3A, %sub3A_159, %dma_start3A_163, %dma_start3A_167] : memref<32x79x1x128xi32, #tpu.memory_space<hbm>> -> memref<1x1x1x128xi32, #tpu.memory_space<hbm>>
        %dma_start3A_169 = tpu.memref_squeeze %dma_start3A_168 : memref<1x1x1x128xi32, #tpu.memory_space<hbm>> -> memref<128xi32, #tpu.memory_space<hbm>>
        tpu.enqueue_dma source(%dma_start3A_169 : memref<128xi32, #tpu.memory_space<hbm>>) target(%arg9 : memref<128xi32, #tpu.memory_space<vmem>>) target_semaphore(%arg22 : memref<!tpu.dma_semaphore, #tpu.memory_space<semaphore_mem>>)
        %dma_wait3A_170 = arith.constant 0 : i32
        %dma_wait3A_171 = arith.constant 0 : i32
        %dma_wait3A_172 = tpu.memref_slice %arg3[%add3A, %sub3A_159, %dma_wait3A_170, %dma_wait3A_171] : memref<32x79x1x128xi32, #tpu.memory_space<hbm>> -> memref<1x1x1x128xi32, #tpu.memory_space<hbm>>
        %dma_wait3A_173 = tpu.memref_squeeze %dma_wait3A_172 : memref<1x1x1x128xi32, #tpu.memory_space<hbm>> -> memref<128xi32, #tpu.memory_space<hbm>>
        %dma_wait3A_174 = arith.constant 0 : i32
        %dma_wait3A_175 = tpu.memref_slice %arg3[%add3A, %sub3A_159, %dma_wait3A_170, %dma_wait3A_174] : memref<32x79x1x128xi32, #tpu.memory_space<hbm>> -> memref<1x1x1x128xi32, #tpu.memory_space<hbm>>
        %dma_wait3A_176 = tpu.memref_squeeze %dma_wait3A_175 : memref<1x1x1x128xi32, #tpu.memory_space<hbm>> -> memref<128xi32, #tpu.memory_space<hbm>>
        tpu.wait_dma2 semaphore(%arg19 : memref<!tpu.dma_semaphore, #tpu.memory_space<semaphore_mem>>) src(%dma_wait3A_176 : memref<128xi32, #tpu.memory_space<hbm>>) dst(%arg6 : memref<128xi32, #tpu.memory_space<vmem>>)
        %dma_start3A_177 = arith.constant 0 : i32
        %dma_start3A_178 = arith.constant 0 : i32
        %dma_start3A_179 = tpu.memref_slice %arg2[%dma_start3A_177, %dma_start3A_178] : memref<10000x128xf32, #tpu.memory_space<hbm>> -> memref<10000x128xf32, #tpu.memory_space<hbm>>
        tpu.enqueue_indirect_dma source(%dma_start3A_179 : memref<10000x128xf32, #tpu.memory_space<hbm>>) target(%arg12 : memref<128x128xf32, #tpu.memory_space<vmem>>) offsets(%arg6 : memref<128xi32, #tpu.memory_space<vmem>>) semaphore(%arg16 : memref<!tpu.dma_semaphore, #tpu.memory_space<semaphore_mem>>)
      } else {
      }
      %mul3A_122 = arith.constant 3 : i32
      %mul3A_123 = arith.muli %scan3A_57, %mul3A_122 : i32
      %add3A_124 = arith.constant 2 : i32
      %add3A_125 = arith.addi %mul3A_123, %add3A_124 : i32
      %dma_wait3A_126 = arith.constant 0 : i32
      %dma_wait3A_127 = arith.constant 0 : i32
      %dma_wait3A_128 = tpu.memref_slice %arg2[%dma_wait3A_126, %dma_wait3A_127] : memref<10000x128xf32, #tpu.memory_space<hbm>> -> memref<10000x128xf32, #tpu.memory_space<hbm>>
      tpu.wait_indirect_dma semaphore(%arg18 : memref<!tpu.dma_semaphore, #tpu.memory_space<semaphore_mem>>) src(%dma_wait3A_128 : memref<10000x128xf32, #tpu.memory_space<hbm>>) dst(%arg14 : memref<128x128xf32, #tpu.memory_space<vmem>>)
      %add3A_129 = arith.constant 3 : i32
      %add3A_130 = arith.addi %add3A_125, %add3A_129 : i32
      %lt3A_131 = arith.constant 79 : i32
      %lt3A_132 = arith.cmpi slt, %add3A_130, %lt3A_131 : i32
      %convert_element_type3A_133 = arith.extui %lt3A_132 : i1 to i32
      %cond3A_134 = arith.constant 0 : i32
      %cond3A_135 = arith.cmpi ne, %convert_element_type3A_133, %cond3A_134 : i32
      scf.if %cond3A_135 {
        %add3A_156 = arith.constant 3 : i32
        %add3A_157 = arith.addi %add3A_125, %add3A_156 : i32
        %dma_start3A_158 = arith.constant 0 : i32
        %dma_start3A_159 = arith.constant 0 : i32
        %dma_start3A_160 = tpu.memref_slice %arg3[%add3A, %add3A_157, %dma_start3A_158, %dma_start3A_159] : memref<32x79x1x128xi32, #tpu.memory_space<hbm>> -> memref<1x1x1x128xi32, #tpu.memory_space<hbm>>
        %dma_start3A_161 = tpu.memref_squeeze %dma_start3A_160 : memref<1x1x1x128xi32, #tpu.memory_space<hbm>> -> memref<128xi32, #tpu.memory_space<hbm>>
        %dma_start3A_162 = arith.constant 0 : i32
        %dma_start3A_163 = tpu.memref_slice %arg3[%add3A, %add3A_157, %dma_start3A_158, %dma_start3A_162] : memref<32x79x1x128xi32, #tpu.memory_space<hbm>> -> memref<1x1x1x128xi32, #tpu.memory_space<hbm>>
        %dma_start3A_164 = tpu.memref_squeeze %dma_start3A_163 : memref<1x1x1x128xi32, #tpu.memory_space<hbm>> -> memref<128xi32, #tpu.memory_space<hbm>>
        tpu.enqueue_dma source(%dma_start3A_164 : memref<128xi32, #tpu.memory_space<hbm>>) target(%arg8 : memref<128xi32, #tpu.memory_space<vmem>>) target_semaphore(%arg21 : memref<!tpu.dma_semaphore, #tpu.memory_space<semaphore_mem>>)
      } else {
      }
      %ge3A_136 = arith.constant 3 : i32
      %ge3A_137 = arith.cmpi sge, %add3A_125, %ge3A_136 : i32
      %convert_element_type3A_138 = arith.extui %ge3A_137 : i1 to i32
      %cond3A_139 = arith.constant 0 : i32
      %cond3A_140 = arith.cmpi ne, %convert_element_type3A_138, %cond3A_139 : i32
      scf.if %cond3A_140 {
        %dma_wait3A_156 = arith.constant 0 : i32
        %dma_wait3A_157 = arith.constant 0 : i32
        %dma_wait3A_158 = tpu.memref_slice %arg4[%add3A, %add3A_125, %dma_wait3A_156, %dma_wait3A_157] : memref<32x79x1x128xi32, #tpu.memory_space<hbm>> -> memref<1x1x1x128xi32, #tpu.memory_space<hbm>>
        %dma_wait3A_159 = tpu.memref_squeeze %dma_wait3A_158 : memref<1x1x1x128xi32, #tpu.memory_space<hbm>> -> memref<128xi32, #tpu.memory_space<hbm>>
        %dma_wait3A_160 = arith.constant 0 : i32
        %dma_wait3A_161 = tpu.memref_slice %arg4[%add3A, %add3A_125, %dma_wait3A_156, %dma_wait3A_160] : memref<32x79x1x128xi32, #tpu.memory_space<hbm>> -> memref<1x1x1x128xi32, #tpu.memory_space<hbm>>
        %dma_wait3A_162 = tpu.memref_squeeze %dma_wait3A_161 : memref<1x1x1x128xi32, #tpu.memory_space<hbm>> -> memref<128xi32, #tpu.memory_space<hbm>>
        tpu.wait_dma2 semaphore(%arg24 : memref<!tpu.dma_semaphore, #tpu.memory_space<semaphore_mem>>) src(%dma_wait3A_162 : memref<128xi32, #tpu.memory_space<hbm>>) dst(%arg11 : memref<128xi32, #tpu.memory_space<vmem>>)
      } else {
      }
      %dma_start3A_141 = arith.constant 0 : i32
      %dma_start3A_142 = arith.constant 0 : i32
      %dma_start3A_143 = tpu.memref_slice %arg15[%dma_start3A_141, %dma_start3A_142] : memref<10016x128xf32, #tpu.memory_space<vmem_shared>> -> memref<10016x128xf32, #tpu.memory_space<vmem_shared>>
      tpu.enqueue_indirect_dma source(%arg14 : memref<128x128xf32, #tpu.memory_space<vmem>>) target(%dma_start3A_143 : memref<10016x128xf32, #tpu.memory_space<vmem_shared>>) offsets(%arg11 : memref<128xi32, #tpu.memory_space<vmem>>) semaphore(%arg27 : memref<!tpu.dma_semaphore, #tpu.memory_space<semaphore_mem>>) {add = true}
      %ge3A_144 = arith.constant 1 : i32
      %ge3A_145 = arith.cmpi sge, %add3A_125, %ge3A_144 : i32
      %add3A_146 = arith.constant 3 : i32
      %add3A_147 = arith.addi %add3A_125, %add3A_146 : i32
      %sub3A_148 = arith.constant 1 : i32
      %sub3A_149 = arith.subi %add3A_147, %sub3A_148 : i32
      %lt3A_150 = arith.constant 79 : i32
      %lt3A_151 = arith.cmpi slt, %sub3A_149, %lt3A_150 : i32
      %and3A_152 = arith.andi %ge3A_145, %lt3A_151 : i1
      %convert_element_type3A_153 = arith.extui %and3A_152 : i1 to i32
      %cond3A_154 = arith.constant 0 : i32
      %cond3A_155 = arith.cmpi ne, %convert_element_type3A_153, %cond3A_154 : i32
      scf.if %cond3A_155 {
        %add3A_156 = arith.constant 3 : i32
        %add3A_157 = arith.addi %add3A_125, %add3A_156 : i32
        %sub3A_158 = arith.constant 1 : i32
        %sub3A_159 = arith.subi %add3A_157, %sub3A_158 : i32
        %dma_wait3A_160 = arith.constant 0 : i32
        %dma_wait3A_161 = arith.constant 0 : i32
        %dma_wait3A_162 = tpu.memref_slice %arg15[%dma_wait3A_160, %dma_wait3A_161] : memref<10016x128xf32, #tpu.memory_space<vmem_shared>> -> memref<10016x128xf32, #tpu.memory_space<vmem_shared>>
        tpu.wait_indirect_dma semaphore(%arg26 : memref<!tpu.dma_semaphore, #tpu.memory_space<semaphore_mem>>) src(%arg13 : memref<128x128xf32, #tpu.memory_space<vmem>>) dst(%dma_wait3A_162 : memref<10016x128xf32, #tpu.memory_space<vmem_shared>>)
        %dma_start3A_163 = arith.constant 0 : i32
        %dma_start3A_164 = arith.constant 0 : i32
        %dma_start3A_165 = tpu.memref_slice %arg4[%add3A, %sub3A_159, %dma_start3A_163, %dma_start3A_164] : memref<32x79x1x128xi32, #tpu.memory_space<hbm>> -> memref<1x1x1x128xi32, #tpu.memory_space<hbm>>
        %dma_start3A_166 = tpu.memref_squeeze %dma_start3A_165 : memref<1x1x1x128xi32, #tpu.memory_space<hbm>> -> memref<128xi32, #tpu.memory_space<hbm>>
        %dma_start3A_167 = arith.constant 0 : i32
        %dma_start3A_168 = tpu.memref_slice %arg4[%add3A, %sub3A_159, %dma_start3A_163, %dma_start3A_167] : memref<32x79x1x128xi32, #tpu.memory_space<hbm>> -> memref<1x1x1x128xi32, #tpu.memory_space<hbm>>
        %dma_start3A_169 = tpu.memref_squeeze %dma_start3A_168 : memref<1x1x1x128xi32, #tpu.memory_space<hbm>> -> memref<128xi32, #tpu.memory_space<hbm>>
        tpu.enqueue_dma source(%dma_start3A_169 : memref<128xi32, #tpu.memory_space<hbm>>) target(%arg10 : memref<128xi32, #tpu.memory_space<vmem>>) target_semaphore(%arg23 : memref<!tpu.dma_semaphore, #tpu.memory_space<semaphore_mem>>)
        %dma_wait3A_170 = arith.constant 0 : i32
        %dma_wait3A_171 = arith.constant 0 : i32
        %dma_wait3A_172 = tpu.memref_slice %arg3[%add3A, %sub3A_159, %dma_wait3A_170, %dma_wait3A_171] : memref<32x79x1x128xi32, #tpu.memory_space<hbm>> -> memref<1x1x1x128xi32, #tpu.memory_space<hbm>>
        %dma_wait3A_173 = tpu.memref_squeeze %dma_wait3A_172 : memref<1x1x1x128xi32, #tpu.memory_space<hbm>> -> memref<128xi32, #tpu.memory_space<hbm>>
        %dma_wait3A_174 = arith.constant 0 : i32
        %dma_wait3A_175 = tpu.memref_slice %arg3[%add3A, %sub3A_159, %dma_wait3A_170, %dma_wait3A_174] : memref<32x79x1x128xi32, #tpu.memory_space<hbm>> -> memref<1x1x1x128xi32, #tpu.memory_space<hbm>>
        %dma_wait3A_176 = tpu.memref_squeeze %dma_wait3A_175 : memref<1x1x1x128xi32, #tpu.memory_space<hbm>> -> memref<128xi32, #tpu.memory_space<hbm>>
        tpu.wait_dma2 semaphore(%arg20 : memref<!tpu.dma_semaphore, #tpu.memory_space<semaphore_mem>>) src(%dma_wait3A_176 : memref<128xi32, #tpu.memory_space<hbm>>) dst(%arg7 : memref<128xi32, #tpu.memory_space<vmem>>)
        %dma_start3A_177 = arith.constant 0 : i32
        %dma_start3A_178 = arith.constant 0 : i32
        %dma_start3A_179 = tpu.memref_slice %arg2[%dma_start3A_177, %dma_start3A_178] : memref<10000x128xf32, #tpu.memory_space<hbm>> -> memref<10000x128xf32, #tpu.memory_space<hbm>>
        tpu.enqueue_indirect_dma source(%dma_start3A_179 : memref<10000x128xf32, #tpu.memory_space<hbm>>) target(%arg13 : memref<128x128xf32, #tpu.memory_space<vmem>>) offsets(%arg7 : memref<128xi32, #tpu.memory_space<vmem>>) semaphore(%arg17 : memref<!tpu.dma_semaphore, #tpu.memory_space<semaphore_mem>>)
      } else {
      }
    }
    %scan3A_28 = arith.constant 26 : i32
    %dma_wait3A = arith.constant 0 : i32
    %dma_wait3A_29 = arith.constant 0 : i32
    %dma_wait3A_30 = tpu.memref_slice %arg2[%dma_wait3A, %dma_wait3A_29] : memref<10000x128xf32, #tpu.memory_space<hbm>> -> memref<10000x128xf32, #tpu.memory_space<hbm>>
    tpu.wait_indirect_dma semaphore(%arg16 : memref<!tpu.dma_semaphore, #tpu.memory_space<semaphore_mem>>) src(%dma_wait3A_30 : memref<10000x128xf32, #tpu.memory_space<hbm>>) dst(%arg12 : memref<128x128xf32, #tpu.memory_space<vmem>>)
    %dma_wait3A_31 = arith.constant 78 : i32
    %dma_wait3A_32 = arith.constant 0 : i32
    %dma_wait3A_33 = arith.constant 0 : i32
    %dma_wait3A_34 = tpu.memref_slice %arg4[%add3A, %dma_wait3A_31, %dma_wait3A_32, %dma_wait3A_33] : memref<32x79x1x128xi32, #tpu.memory_space<hbm>> -> memref<1x1x1x128xi32, #tpu.memory_space<hbm>>
    %dma_wait3A_35 = tpu.memref_squeeze %dma_wait3A_34 : memref<1x1x1x128xi32, #tpu.memory_space<hbm>> -> memref<128xi32, #tpu.memory_space<hbm>>
    %dma_wait3A_36 = arith.constant 0 : i32
    %dma_wait3A_37 = tpu.memref_slice %arg4[%add3A, %dma_wait3A_31, %dma_wait3A_32, %dma_wait3A_36] : memref<32x79x1x128xi32, #tpu.memory_space<hbm>> -> memref<1x1x1x128xi32, #tpu.memory_space<hbm>>
    %dma_wait3A_38 = tpu.memref_squeeze %dma_wait3A_37 : memref<1x1x1x128xi32, #tpu.memory_space<hbm>> -> memref<128xi32, #tpu.memory_space<hbm>>
    tpu.wait_dma2 semaphore(%arg22 : memref<!tpu.dma_semaphore, #tpu.memory_space<semaphore_mem>>) src(%dma_wait3A_38 : memref<128xi32, #tpu.memory_space<hbm>>) dst(%arg9 : memref<128xi32, #tpu.memory_space<vmem>>)
    %dma_start3A_39 = arith.constant 0 : i32
    %dma_start3A_40 = arith.constant 0 : i32
    %dma_start3A_41 = tpu.memref_slice %arg15[%dma_start3A_39, %dma_start3A_40] : memref<10016x128xf32, #tpu.memory_space<vmem_shared>> -> memref<10016x128xf32, #tpu.memory_space<vmem_shared>>
    tpu.enqueue_indirect_dma source(%arg12 : memref<128x128xf32, #tpu.memory_space<vmem>>) target(%dma_start3A_41 : memref<10016x128xf32, #tpu.memory_space<vmem_shared>>) offsets(%arg9 : memref<128xi32, #tpu.memory_space<vmem>>) semaphore(%arg25 : memref<!tpu.dma_semaphore, #tpu.memory_space<semaphore_mem>>) {add = true}
    %dma_wait3A_42 = arith.constant 0 : i32
    %dma_wait3A_43 = arith.constant 0 : i32
    %dma_wait3A_44 = tpu.memref_slice %arg15[%dma_wait3A_42, %dma_wait3A_43] : memref<10016x128xf32, #tpu.memory_space<vmem_shared>> -> memref<10016x128xf32, #tpu.memory_space<vmem_shared>>
    tpu.wait_indirect_dma semaphore(%arg26 : memref<!tpu.dma_semaphore, #tpu.memory_space<semaphore_mem>>) src(%arg13 : memref<128x128xf32, #tpu.memory_space<vmem>>) dst(%dma_wait3A_44 : memref<10016x128xf32, #tpu.memory_space<vmem_shared>>)
    %dma_wait3A_45 = arith.constant 0 : i32
    %dma_wait3A_46 = arith.constant 0 : i32
    %dma_wait3A_47 = tpu.memref_slice %arg15[%dma_wait3A_45, %dma_wait3A_46] : memref<10016x128xf32, #tpu.memory_space<vmem_shared>> -> memref<10016x128xf32, #tpu.memory_space<vmem_shared>>
    tpu.wait_indirect_dma semaphore(%arg27 : memref<!tpu.dma_semaphore, #tpu.memory_space<semaphore_mem>>) src(%arg14 : memref<128x128xf32, #tpu.memory_space<vmem>>) dst(%dma_wait3A_47 : memref<10016x128xf32, #tpu.memory_space<vmem_shared>>)
    %dma_wait3A_48 = arith.constant 0 : i32
    %dma_wait3A_49 = arith.constant 0 : i32
    %dma_wait3A_50 = tpu.memref_slice %arg15[%dma_wait3A_48, %dma_wait3A_49] : memref<10016x128xf32, #tpu.memory_space<vmem_shared>> -> memref<10016x128xf32, #tpu.memory_space<vmem_shared>>
    tpu.wait_indirect_dma semaphore(%arg25 : memref<!tpu.dma_semaphore, #tpu.memory_space<semaphore_mem>>) src(%arg12 : memref<128x128xf32, #tpu.memory_space<vmem>>) dst(%dma_wait3A_50 : memref<10016x128xf32, #tpu.memory_space<vmem_shared>>)
    %barrier3A_51 = arith.constant 0 : index
    tpu.barrier barrier_id(%barrier3A_51)
    "tpu.region"() ({
      %run_scoped3A_57 = tpu.sem_alloc : memref<!tpu.dma_semaphore, #tpu.memory_space<semaphore_mem>>
      %dma_start3A_58 = arith.constant 0 : i32
      %dma_start3A_59 = tpu.memref_slice %arg5[%arg0, %mul3A_2, %dma_start3A_58] : memref<2x10000x128xf32, #tpu.memory_space<hbm>> -> memref<1x624x128xf32, #tpu.memory_space<hbm>>
      %dma_start3A_60 = tpu.memref_squeeze %dma_start3A_59 : memref<1x624x128xf32, #tpu.memory_space<hbm>> -> memref<624x128xf32, #tpu.memory_space<hbm>>
      %dma_start3A_61 = arith.constant 0 : i32
      %dma_start3A_62 = tpu.memref_slice %arg15[%mul3A_2, %dma_start3A_61] : memref<10016x128xf32, #tpu.memory_space<vmem_shared>> -> memref<624x128xf32, #tpu.memory_space<vmem_shared>>
      tpu.enqueue_dma source(%dma_start3A_62 : memref<624x128xf32, #tpu.memory_space<vmem_shared>>) target(%dma_start3A_60 : memref<624x128xf32, #tpu.memory_space<hbm>>) target_semaphore(%run_scoped3A_57 : memref<!tpu.dma_semaphore, #tpu.memory_space<semaphore_mem>>)
      %dma_wait3A_63 = arith.constant 0 : i32
      %dma_wait3A_64 = tpu.memref_slice %arg5[%arg0, %mul3A_2, %dma_wait3A_63] : memref<2x10000x128xf32, #tpu.memory_space<hbm>> -> memref<1x624x128xf32, #tpu.memory_space<hbm>>
      %dma_wait3A_65 = tpu.memref_squeeze %dma_wait3A_64 : memref<1x624x128xf32, #tpu.memory_space<hbm>> -> memref<624x128xf32, #tpu.memory_space<hbm>>
      %dma_wait3A_66 = arith.constant 0 : i32
      %dma_wait3A_67 = tpu.memref_slice %arg15[%mul3A_2, %dma_wait3A_66] : memref<10016x128xf32, #tpu.memory_space<vmem_shared>> -> memref<624x128xf32, #tpu.memory_space<vmem_shared>>
      tpu.wait_dma2 semaphore(%run_scoped3A_57 : memref<!tpu.dma_semaphore, #tpu.memory_space<semaphore_mem>>) src(%dma_wait3A_67 : memref<624x128xf32, #tpu.memory_space<vmem_shared>>) dst(%dma_wait3A_65 : memref<624x128xf32, #tpu.memory_space<hbm>>)
      tpu.yield
    }) : () -> ()
    %eq3A_52 = arith.constant 0 : i32
    %eq3A_53 = arith.cmpi eq, %arg1, %eq3A_52 : i32
    %convert_element_type3A_54 = arith.extui %eq3A_53 : i1 to i32
    %cond3A_55 = arith.constant 0 : i32
    %cond3A_56 = arith.cmpi ne, %convert_element_type3A_54, %cond3A_55 : i32
    scf.if %cond3A_56 {
      "tpu.region"() ({
        %run_scoped3A_57 = tpu.sem_alloc : memref<!tpu.dma_semaphore, #tpu.memory_space<semaphore_mem>>
        %dma_start3A_58 = arith.constant 9984 : i32
        %dma_start3A_59 = arith.constant 0 : i32
        %dma_start3A_60 = tpu.memref_slice %arg5[%arg0, %dma_start3A_58, %dma_start3A_59] : memref<2x10000x128xf32, #tpu.memory_space<hbm>> -> memref<1x16x128xf32, #tpu.memory_space<hbm>>
        %dma_start3A_61 = tpu.memref_squeeze %dma_start3A_60 : memref<1x16x128xf32, #tpu.memory_space<hbm>> -> memref<16x128xf32, #tpu.memory_space<hbm>>
        %dma_start3A_62 = arith.constant 9984 : i32
        %dma_start3A_63 = arith.constant 0 : i32
        %dma_start3A_64 = tpu.memref_slice %arg15[%dma_start3A_62, %dma_start3A_63] : memref<10016x128xf32, #tpu.memory_space<vmem_shared>> -> memref<16x128xf32, #tpu.memory_space<vmem_shared>>
        tpu.enqueue_dma source(%dma_start3A_64 : memref<16x128xf32, #tpu.memory_space<vmem_shared>>) target(%dma_start3A_61 : memref<16x128xf32, #tpu.memory_space<hbm>>) target_semaphore(%run_scoped3A_57 : memref<!tpu.dma_semaphore, #tpu.memory_space<semaphore_mem>>)
        %dma_wait3A_65 = arith.constant 9984 : i32
        %dma_wait3A_66 = arith.constant 0 : i32
        %dma_wait3A_67 = tpu.memref_slice %arg5[%arg0, %dma_wait3A_65, %dma_wait3A_66] : memref<2x10000x128xf32, #tpu.memory_space<hbm>> -> memref<1x16x128xf32, #tpu.memory_space<hbm>>
        %dma_wait3A_68 = tpu.memref_squeeze %dma_wait3A_67 : memref<1x16x128xf32, #tpu.memory_space<hbm>> -> memref<16x128xf32, #tpu.memory_space<hbm>>
        %dma_wait3A_69 = arith.constant 9984 : i32
        %dma_wait3A_70 = arith.constant 0 : i32
        %dma_wait3A_71 = tpu.memref_slice %arg15[%dma_wait3A_69, %dma_wait3A_70] : memref<10016x128xf32, #tpu.memory_space<vmem_shared>> -> memref<16x128xf32, #tpu.memory_space<vmem_shared>>
        tpu.wait_dma2 semaphore(%run_scoped3A_57 : memref<!tpu.dma_semaphore, #tpu.memory_space<semaphore_mem>>) src(%dma_wait3A_71 : memref<16x128xf32, #tpu.memory_space<vmem_shared>>) dst(%dma_wait3A_68 : memref<16x128xf32, #tpu.memory_space<hbm>>)
        tpu.yield
      }) : () -> ()
    } else {
    }
    return
  }
}

module attributes {stable_mosaic.version = 14 : i64} {
  func.func @_embed_body(%arg0: i32, %arg1: memref<2000x1xi32, #tpu.memory_space<vmem>>, %arg2: memref<32x128xf32, #tpu.memory_space<vmem>>, %arg3: memref<2000x128xf32, #tpu.memory_space<vmem>>) attributes {dimension_semantics = [#tpu.dimension_semantics<arbitrary>], iteration_bounds = array<i64: 5>, scalar_prefetch = 0 : i64, scratch_operands = 0 : i64, tpu.core_type = #tpu.core_type<tc>, window_params = [{transform_indices = @transform_0, window_bounds = array<i64: 2000, 1>}, {pipeline_mode = #tpu.pipeline_mode<synchronous>, transform_indices = @transform_1, window_bounds = array<i64: 32, 128>}, {transform_indices = @transform_2, window_bounds = array<i64: 2000, 128>}]} {
    %get3A = arith.constant 0 : index
    %get3A_0 = arith.constant 0 : index
    %get3A_1 = vector.load %arg1[%get3A, %get3A_0] : memref<2000x1xi32, #tpu.memory_space<vmem>>, vector<2000x1xi32>
    %iota3A = tpu.iota {dimensions = array<i32: 1>} : vector<2000x32xi32>
    %eq3A = vector.broadcast %get3A_1 : vector<2000x1xi32> to vector<2000x32xi32>
    %eq3A_2 = arith.cmpi eq, %eq3A, %iota3A : vector<2000x32xi32>
    %convert_element_type3A = arith.extui %eq3A_2 : vector<2000x32xi1> to vector<2000x32xi32>
    %convert_element_type3A_3 = arith.sitofp %convert_element_type3A : vector<2000x32xi32> to vector<2000x32xf32>
    %get3A_4 = arith.constant 0 : index
    %get3A_5 = arith.constant 0 : index
    %get3A_6 = vector.load %arg2[%get3A_4, %get3A_5] : memref<32x128xf32, #tpu.memory_space<vmem>>, vector<32x128xf32>
    %dot_general3A = arith.constant dense<0.000000e+00> : vector<2000x128xf32>
    %dot_general3A_7 = tpu.matmul %convert_element_type3A_3, %get3A_6, %dot_general3A {dimension_numbers = #tpu.dot_dimension_numbers<[1], [0], [0], [1], [0, 0, 1, 1], [], []>, transpose_lhs_hint = false} : vector<2000x32xf32>, vector<32x128xf32>, vector<2000x128xf32> -> vector<2000x128xf32>
    %swap3A = arith.constant 0 : index
    %swap3A_8 = arith.constant 0 : index
    %swap3A_9 = vector.load %arg3[%swap3A, %swap3A_8] : memref<2000x128xf32, #tpu.memory_space<vmem>>, vector<2000x128xf32>
    tpu.vector_store %arg3[%swap3A, %swap3A_8], %dot_general3A_7 {strides = array<i32>} : memref<2000x128xf32, #tpu.memory_space<vmem>>, vector<2000x128xf32>,
    return
  }
  func.func @transform_0(%arg0: i32) -> (i32, i32) {
    %c0_i32 = arith.constant 0 : i32
    %c0_i32_0 = arith.constant 0 : i32
    return %arg0, %c0_i32 : i32, i32
  }
  func.func @transform_1(%arg0: i32) -> (i32, i32) {
    %c0_i32 = arith.constant 0 : i32
    %c0_i32_0 = arith.constant 0 : i32
    %c0_i32_1 = arith.constant 0 : i32
    return %c0_i32, %c0_i32_0 : i32, i32
  }
  func.func @transform_2(%arg0: i32) -> (i32, i32) {
    %c0_i32 = arith.constant 0 : i32
    %c0_i32_0 = arith.constant 0 : i32
    return %arg0, %c0_i32 : i32, i32
  }
}

module attributes {stable_mosaic.version = 14 : i64} {
  func.func @_mlp_body(%arg0: i32, %arg1: memref<2x2000x128xf32, #tpu.memory_space<vmem>>, %arg2: memref<2000x128xf32, #tpu.memory_space<vmem>>, %arg3: memref<128x128xf32, #tpu.memory_space<vmem>>, %arg4: memref<1x128xf32, #tpu.memory_space<vmem>>, %arg5: memref<128x128xf32, #tpu.memory_space<vmem>>, %arg6: memref<1x128xf32, #tpu.memory_space<vmem>>, %arg7: memref<1x128xf32, #tpu.memory_space<vmem>>, %arg8: memref<2000x128xf32, #tpu.memory_space<vmem>>) attributes {dimension_semantics = [#tpu.dimension_semantics<arbitrary>], iteration_bounds = array<i64: 5>, scalar_prefetch = 0 : i64, scratch_operands = 0 : i64, tpu.core_type = #tpu.core_type<tc>, window_params = [{transform_indices = @transform_0, window_bounds = array<i64: 2, 2000, 128>}, {transform_indices = @transform_1, window_bounds = array<i64: 2000, 128>}, {pipeline_mode = #tpu.pipeline_mode<synchronous>, transform_indices = @transform_2, window_bounds = array<i64: 128, 128>}, {pipeline_mode = #tpu.pipeline_mode<synchronous>, transform_indices = @transform_3, window_bounds = array<i64: 1, 128>}, {pipeline_mode = #tpu.pipeline_mode<synchronous>, transform_indices = @transform_4, window_bounds = array<i64: 128, 128>}, {pipeline_mode = #tpu.pipeline_mode<synchronous>, transform_indices = @transform_5, window_bounds = array<i64: 1, 128>}, {pipeline_mode = #tpu.pipeline_mode<synchronous>, transform_indices = @transform_6, window_bounds = array<i64: 1, 128>}, {transform_indices = @transform_7, window_bounds = array<i64: 2000, 128>}]} {
    %get3A = arith.constant 0 : index
    %get3A_0 = arith.constant 0 : index
    %get3A_1 = arith.constant 0 : index
    %get3A_2 = vector.load %arg1[%get3A, %get3A_0, %get3A_1] : memref<2x2000x128xf32, #tpu.memory_space<vmem>>, vector<1x2000x128xf32>
    %get3A_3 = vector.shape_cast %get3A_2 : vector<1x2000x128xf32> to vector<2000x128xf32>
    %get3A_4 = arith.constant 1 : index
    %get3A_5 = arith.constant 0 : index
    %get3A_6 = arith.constant 0 : index
    %get3A_7 = vector.load %arg1[%get3A_4, %get3A_5, %get3A_6] : memref<2x2000x128xf32, #tpu.memory_space<vmem>>, vector<1x2000x128xf32>
    %get3A_8 = vector.shape_cast %get3A_7 : vector<1x2000x128xf32> to vector<2000x128xf32>
    %add3A = arith.addf %get3A_3, %get3A_8 : vector<2000x128xf32>
    %get3A_9 = arith.constant 0 : index
    %get3A_10 = arith.constant 0 : index
    %get3A_11 = vector.load %arg7[%get3A_9, %get3A_10] : memref<1x128xf32, #tpu.memory_space<vmem>>, vector<1x128xf32>
    %get3A_12 = arith.constant 0 : index
    %get3A_13 = arith.constant 0 : index
    %get3A_14 = vector.load %arg2[%get3A_12, %get3A_13] : memref<2000x128xf32, #tpu.memory_space<vmem>>, vector<2000x128xf32>
    %mul3A = vector.broadcast %get3A_11 : vector<1x128xf32> to vector<2000x128xf32>
    %mul3A_15 = arith.mulf %mul3A, %get3A_14 : vector<2000x128xf32>
    %add3A_16 = arith.addf %add3A, %mul3A_15 : vector<2000x128xf32>
    %get3A_17 = arith.constant 0 : index
    %get3A_18 = arith.constant 0 : index
    %get3A_19 = vector.load %arg3[%get3A_17, %get3A_18] : memref<128x128xf32, #tpu.memory_space<vmem>>, vector<128x128xf32>
    %dot_general3A = arith.constant dense<0.000000e+00> : vector<2000x128xf32>
    %dot_general3A_20 = tpu.matmul %add3A_16, %get3A_19, %dot_general3A {dimension_numbers = #tpu.dot_dimension_numbers<[1], [0], [0], [1], [0, 0, 1, 1], [], []>, transpose_lhs_hint = false} : vector<2000x128xf32>, vector<128x128xf32>, vector<2000x128xf32> -> vector<2000x128xf32>
    %get3A_21 = arith.constant 0 : index
    %get3A_22 = arith.constant 0 : index
    %get3A_23 = vector.load %arg4[%get3A_21, %get3A_22] : memref<1x128xf32, #tpu.memory_space<vmem>>, vector<1x128xf32>
    %add3A_24 = vector.broadcast %get3A_23 : vector<1x128xf32> to vector<2000x128xf32>
    %add3A_25 = arith.addf %dot_general3A_20, %add3A_24 : vector<2000x128xf32>
    %get3A_26 = arith.constant 0 : index
    %get3A_27 = arith.constant 0 : index
    %get3A_28 = vector.load %arg5[%get3A_26, %get3A_27] : memref<128x128xf32, #tpu.memory_space<vmem>>, vector<128x128xf32>
    %dot_general3A_29 = arith.constant dense<0.000000e+00> : vector<2000x128xf32>
    %dot_general3A_30 = tpu.matmul %add3A_25, %get3A_28, %dot_general3A_29 {dimension_numbers = #tpu.dot_dimension_numbers<[1], [0], [0], [1], [0, 0, 1, 1], [], []>, transpose_lhs_hint = false} : vector<2000x128xf32>, vector<128x128xf32>, vector<2000x128xf32> -> vector<2000x128xf32>
    %get3A_31 = arith.constant 0 : index
    %get3A_32 = arith.constant 0 : index
    %get3A_33 = vector.load %arg6[%get3A_31, %get3A_32] : memref<1x128xf32, #tpu.memory_space<vmem>>, vector<1x128xf32>
    %add3A_34 = vector.broadcast %get3A_33 : vector<1x128xf32> to vector<2000x128xf32>
    %add3A_35 = arith.addf %dot_general3A_30, %add3A_34 : vector<2000x128xf32>
    %max3A = arith.constant 0.000000e+00 : f32
    %max3A_36 = vector.broadcast %max3A : f32 to vector<2000x128xf32>
    %max3A_37 = arith.maximumf %add3A_35, %max3A_36 : vector<2000x128xf32>
    %swap3A = arith.constant 0 : index
    %swap3A_38 = arith.constant 0 : index
    %swap3A_39 = vector.load %arg8[%swap3A, %swap3A_38] : memref<2000x128xf32, #tpu.memory_space<vmem>>, vector<2000x128xf32>
    tpu.vector_store %arg8[%swap3A, %swap3A_38], %max3A_37 {strides = array<i32>} : memref<2000x128xf32, #tpu.memory_space<vmem>>, vector<2000x128xf32>,
    return
  }
  func.func @transform_0(%arg0: i32) -> (i32, i32, i32) {
    %c0_i32 = arith.constant 0 : i32
    %c0_i32_0 = arith.constant 0 : i32
    %c0_i32_1 = arith.constant 0 : i32
    return %c0_i32, %arg0, %c0_i32_0 : i32, i32, i32
  }
  func.func @transform_1(%arg0: i32) -> (i32, i32) {
    %c0_i32 = arith.constant 0 : i32
    %c0_i32_0 = arith.constant 0 : i32
    return %arg0, %c0_i32 : i32, i32
  }
  func.func @transform_2(%arg0: i32) -> (i32, i32) {
    %c0_i32 = arith.constant 0 : i32
    %c0_i32_0 = arith.constant 0 : i32
    %c0_i32_1 = arith.constant 0 : i32
    return %c0_i32, %c0_i32_0 : i32, i32
  }
  func.func @transform_3(%arg0: i32) -> (i32, i32) {
    %c0_i32 = arith.constant 0 : i32
    %c0_i32_0 = arith.constant 0 : i32
    %c0_i32_1 = arith.constant 0 : i32
    return %c0_i32, %c0_i32_0 : i32, i32
  }
  func.func @transform_4(%arg0: i32) -> (i32, i32) {
    %c0_i32 = arith.constant 0 : i32
    %c0_i32_0 = arith.constant 0 : i32
    %c0_i32_1 = arith.constant 0 : i32
    return %c0_i32, %c0_i32_0 : i32, i32
  }
  func.func @transform_5(%arg0: i32) -> (i32, i32) {
    %c0_i32 = arith.constant 0 : i32
    %c0_i32_0 = arith.constant 0 : i32
    %c0_i32_1 = arith.constant 0 : i32
    return %c0_i32, %c0_i32_0 : i32, i32
  }
  func.func @transform_6(%arg0: i32) -> (i32, i32) {
    %c0_i32 = arith.constant 0 : i32
    %c0_i32_0 = arith.constant 0 : i32
    %c0_i32_1 = arith.constant 0 : i32
    return %c0_i32, %c0_i32_0 : i32, i32
  }
  func.func @transform_7(%arg0: i32) -> (i32, i32) {
    %c0_i32 = arith.constant 0 : i32
    %c0_i32_0 = arith.constant 0 : i32
    return %arg0, %c0_i32 : i32, i32
  }
}

module attributes {stable_mosaic.version = 14 : i64} {
  func.func @_mlp_proj_body(%arg0: i32, %arg1: memref<2x2000x128xf32, #tpu.memory_space<vmem>>, %arg2: memref<2000x128xf32, #tpu.memory_space<vmem>>, %arg3: memref<128x128xf32, #tpu.memory_space<vmem>>, %arg4: memref<1x128xf32, #tpu.memory_space<vmem>>, %arg5: memref<128x128xf32, #tpu.memory_space<vmem>>, %arg6: memref<1x128xf32, #tpu.memory_space<vmem>>, %arg7: memref<1x128xf32, #tpu.memory_space<vmem>>, %arg8: memref<128x128xf32, #tpu.memory_space<vmem>>, %arg9: memref<1x128xf32, #tpu.memory_space<vmem>>, %arg10: memref<2000x128xf32, #tpu.memory_space<vmem>>, %arg11: memref<2000x128xf32, #tpu.memory_space<vmem>>) attributes {dimension_semantics = [#tpu.dimension_semantics<arbitrary>], iteration_bounds = array<i64: 5>, scalar_prefetch = 0 : i64, scratch_operands = 0 : i64, tpu.core_type = #tpu.core_type<tc>, window_params = [{transform_indices = @transform_0, window_bounds = array<i64: 2, 2000, 128>}, {transform_indices = @transform_1, window_bounds = array<i64: 2000, 128>}, {pipeline_mode = #tpu.pipeline_mode<synchronous>, transform_indices = @transform_2, window_bounds = array<i64: 128, 128>}, {pipeline_mode = #tpu.pipeline_mode<synchronous>, transform_indices = @transform_3, window_bounds = array<i64: 1, 128>}, {pipeline_mode = #tpu.pipeline_mode<synchronous>, transform_indices = @transform_4, window_bounds = array<i64: 128, 128>}, {pipeline_mode = #tpu.pipeline_mode<synchronous>, transform_indices = @transform_5, window_bounds = array<i64: 1, 128>}, {pipeline_mode = #tpu.pipeline_mode<synchronous>, transform_indices = @transform_6, window_bounds = array<i64: 1, 128>}, {pipeline_mode = #tpu.pipeline_mode<synchronous>, transform_indices = @transform_7, window_bounds = array<i64: 128, 128>}, {pipeline_mode = #tpu.pipeline_mode<synchronous>, transform_indices = @transform_8, window_bounds = array<i64: 1, 128>}, {transform_indices = @transform_9, window_bounds = array<i64: 2000, 128>}, {transform_indices = @transform_10, window_bounds = array<i64: 2000, 128>}]} {
    %get3A = arith.constant 0 : index
    %get3A_0 = arith.constant 0 : index
    %get3A_1 = arith.constant 0 : index
    %get3A_2 = vector.load %arg1[%get3A, %get3A_0, %get3A_1] : memref<2x2000x128xf32, #tpu.memory_space<vmem>>, vector<1x2000x128xf32>
    %get3A_3 = vector.shape_cast %get3A_2 : vector<1x2000x128xf32> to vector<2000x128xf32>
    %get3A_4 = arith.constant 1 : index
    %get3A_5 = arith.constant 0 : index
    %get3A_6 = arith.constant 0 : index
    %get3A_7 = vector.load %arg1[%get3A_4, %get3A_5, %get3A_6] : memref<2x2000x128xf32, #tpu.memory_space<vmem>>, vector<1x2000x128xf32>
    %get3A_8 = vector.shape_cast %get3A_7 : vector<1x2000x128xf32> to vector<2000x128xf32>
    %add3A = arith.addf %get3A_3, %get3A_8 : vector<2000x128xf32>
    %get3A_9 = arith.constant 0 : index
    %get3A_10 = arith.constant 0 : index
    %get3A_11 = vector.load %arg7[%get3A_9, %get3A_10] : memref<1x128xf32, #tpu.memory_space<vmem>>, vector<1x128xf32>
    %get3A_12 = arith.constant 0 : index
    %get3A_13 = arith.constant 0 : index
    %get3A_14 = vector.load %arg2[%get3A_12, %get3A_13] : memref<2000x128xf32, #tpu.memory_space<vmem>>, vector<2000x128xf32>
    %mul3A = vector.broadcast %get3A_11 : vector<1x128xf32> to vector<2000x128xf32>
    %mul3A_15 = arith.mulf %mul3A, %get3A_14 : vector<2000x128xf32>
    %add3A_16 = arith.addf %add3A, %mul3A_15 : vector<2000x128xf32>
    %get3A_17 = arith.constant 0 : index
    %get3A_18 = arith.constant 0 : index
    %get3A_19 = vector.load %arg3[%get3A_17, %get3A_18] : memref<128x128xf32, #tpu.memory_space<vmem>>, vector<128x128xf32>
    %dot_general3A = arith.constant dense<0.000000e+00> : vector<2000x128xf32>
    %dot_general3A_20 = tpu.matmul %add3A_16, %get3A_19, %dot_general3A {dimension_numbers = #tpu.dot_dimension_numbers<[1], [0], [0], [1], [0, 0, 1, 1], [], []>, transpose_lhs_hint = false} : vector<2000x128xf32>, vector<128x128xf32>, vector<2000x128xf32> -> vector<2000x128xf32>
    %get3A_21 = arith.constant 0 : index
    %get3A_22 = arith.constant 0 : index
    %get3A_23 = vector.load %arg4[%get3A_21, %get3A_22] : memref<1x128xf32, #tpu.memory_space<vmem>>, vector<1x128xf32>
    %add3A_24 = vector.broadcast %get3A_23 : vector<1x128xf32> to vector<2000x128xf32>
    %add3A_25 = arith.addf %dot_general3A_20, %add3A_24 : vector<2000x128xf32>
    %get3A_26 = arith.constant 0 : index
    %get3A_27 = arith.constant 0 : index
    %get3A_28 = vector.load %arg5[%get3A_26, %get3A_27] : memref<128x128xf32, #tpu.memory_space<vmem>>, vector<128x128xf32>
    %dot_general3A_29 = arith.constant dense<0.000000e+00> : vector<2000x128xf32>
    %dot_general3A_30 = tpu.matmul %add3A_25, %get3A_28, %dot_general3A_29 {dimension_numbers = #tpu.dot_dimension_numbers<[1], [0], [0], [1], [0, 0, 1, 1], [], []>, transpose_lhs_hint = false} : vector<2000x128xf32>, vector<128x128xf32>, vector<2000x128xf32> -> vector<2000x128xf32>
    %get3A_31 = arith.constant 0 : index
    %get3A_32 = arith.constant 0 : index
    %get3A_33 = vector.load %arg6[%get3A_31, %get3A_32] : memref<1x128xf32, #tpu.memory_space<vmem>>, vector<1x128xf32>
    %add3A_34 = vector.broadcast %get3A_33 : vector<1x128xf32> to vector<2000x128xf32>
    %add3A_35 = arith.addf %dot_general3A_30, %add3A_34 : vector<2000x128xf32>
    %max3A = arith.constant 0.000000e+00 : f32
    %max3A_36 = vector.broadcast %max3A : f32 to vector<2000x128xf32>
    %max3A_37 = arith.maximumf %add3A_35, %max3A_36 : vector<2000x128xf32>
    %swap3A = arith.constant 0 : index
    %swap3A_38 = arith.constant 0 : index
    %swap3A_39 = vector.load %arg10[%swap3A, %swap3A_38] : memref<2000x128xf32, #tpu.memory_space<vmem>>, vector<2000x128xf32>
    tpu.vector_store %arg10[%swap3A, %swap3A_38], %max3A_37 {strides = array<i32>} : memref<2000x128xf32, #tpu.memory_space<vmem>>, vector<2000x128xf32>,
    %get3A_40 = arith.constant 0 : index
    %get3A_41 = arith.constant 0 : index
    %get3A_42 = vector.load %arg8[%get3A_40, %get3A_41] : memref<128x128xf32, #tpu.memory_space<vmem>>, vector<128x128xf32>
    %dot_general3A_43 = arith.constant dense<0.000000e+00> : vector<2000x128xf32>
    %dot_general3A_44 = tpu.matmul %max3A_37, %get3A_42, %dot_general3A_43 {dimension_numbers = #tpu.dot_dimension_numbers<[1], [0], [0], [1], [0, 0, 1, 1], [], []>, transpose_lhs_hint = false} : vector<2000x128xf32>, vector<128x128xf32>, vector<2000x128xf32> -> vector<2000x128xf32>
    %get3A_45 = arith.constant 0 : index
    %get3A_46 = arith.constant 0 : index
    %get3A_47 = vector.load %arg9[%get3A_45, %get3A_46] : memref<1x128xf32, #tpu.memory_space<vmem>>, vector<1x128xf32>
    %add3A_48 = vector.broadcast %get3A_47 : vector<1x128xf32> to vector<2000x128xf32>
    %add3A_49 = arith.addf %dot_general3A_44, %add3A_48 : vector<2000x128xf32>
    %swap3A_50 = arith.constant 0 : index
    %swap3A_51 = arith.constant 0 : index
    %swap3A_52 = vector.load %arg11[%swap3A_50, %swap3A_51] : memref<2000x128xf32, #tpu.memory_space<vmem>>, vector<2000x128xf32>
    tpu.vector_store %arg11[%swap3A_50, %swap3A_51], %add3A_49 {strides = array<i32>} : memref<2000x128xf32, #tpu.memory_space<vmem>>, vector<2000x128xf32>,
    return
  }
  func.func @transform_0(%arg0: i32) -> (i32, i32, i32) {
    %c0_i32 = arith.constant 0 : i32
    %c0_i32_0 = arith.constant 0 : i32
    %c0_i32_1 = arith.constant 0 : i32
    return %c0_i32, %arg0, %c0_i32_0 : i32, i32, i32
  }
  func.func @transform_1(%arg0: i32) -> (i32, i32) {
    %c0_i32 = arith.constant 0 : i32
    %c0_i32_0 = arith.constant 0 : i32
    return %arg0, %c0_i32 : i32, i32
  }
  func.func @transform_2(%arg0: i32) -> (i32, i32) {
    %c0_i32 = arith.constant 0 : i32
    %c0_i32_0 = arith.constant 0 : i32
    %c0_i32_1 = arith.constant 0 : i32
    return %c0_i32, %c0_i32_0 : i32, i32
  }
  func.func @transform_3(%arg0: i32) -> (i32, i32) {
    %c0_i32 = arith.constant 0 : i32
    %c0_i32_0 = arith.constant 0 : i32
    %c0_i32_1 = arith.constant 0 : i32
    return %c0_i32, %c0_i32_0 : i32, i32
  }
  func.func @transform_4(%arg0: i32) -> (i32, i32) {
    %c0_i32 = arith.constant 0 : i32
    %c0_i32_0 = arith.constant 0 : i32
    %c0_i32_1 = arith.constant 0 : i32
    return %c0_i32, %c0_i32_0 : i32, i32
  }
  func.func @transform_5(%arg0: i32) -> (i32, i32) {
    %c0_i32 = arith.constant 0 : i32
    %c0_i32_0 = arith.constant 0 : i32
    %c0_i32_1 = arith.constant 0 : i32
    return %c0_i32, %c0_i32_0 : i32, i32
  }
  func.func @transform_6(%arg0: i32) -> (i32, i32) {
    %c0_i32 = arith.constant 0 : i32
    %c0_i32_0 = arith.constant 0 : i32
    %c0_i32_1 = arith.constant 0 : i32
    return %c0_i32, %c0_i32_0 : i32, i32
  }
  func.func @transform_7(%arg0: i32) -> (i32, i32) {
    %c0_i32 = arith.constant 0 : i32
    %c0_i32_0 = arith.constant 0 : i32
    %c0_i32_1 = arith.constant 0 : i32
    return %c0_i32, %c0_i32_0 : i32, i32
  }
  func.func @transform_8(%arg0: i32) -> (i32, i32) {
    %c0_i32 = arith.constant 0 : i32
    %c0_i32_0 = arith.constant 0 : i32
    %c0_i32_1 = arith.constant 0 : i32
    return %c0_i32, %c0_i32_0 : i32, i32
  }
  func.func @transform_9(%arg0: i32) -> (i32, i32) {
    %c0_i32 = arith.constant 0 : i32
    %c0_i32_0 = arith.constant 0 : i32
    return %arg0, %c0_i32 : i32, i32
  }
  func.func @transform_10(%arg0: i32) -> (i32, i32) {
    %c0_i32 = arith.constant 0 : i32
    %c0_i32_0 = arith.constant 0 : i32
    return %arg0, %c0_i32 : i32, i32
  }
}

</mosaic_0001>

<sc_bundles>
// kernel: kernel.10.cloned.1.call-start
scs
__scs_entry_jumppad:
0x0: {  	(pc) =	sbr.rel $0x88, $3  }
0x1: {  	(tag) =	ssettag $0x0;
	lr =	simm.s32 $0x1  }
0x2: {  	[smem:$0x3F93] =	sst lr;
	_ =	strace $0xD0000000  }
0x3: {  	_ = 	snop  }
0x4: {  	_ = 	snop  }
0x5: {  	_ = 	snop  }
0x6: {  	_ = 	snop  }
0x7: {  	_ = 	snop  }
__scs_overlays_trampoline_lowered:
0x8: {  	[smem:$0x3FA2] =	sst s0  }
0x9: {  	[smem:$0x3FA3] =	sst s1  }
0xa: {  	[smem:$0x3FA4] =	sst s2  }
0xb: {  	[smem:$0x3FA5] =	sst s3  }
0xc: {  	[smem:$0x3FA6] =	sst s4  }
0xd: {  	[smem:$0x3FA7] =	sst s5  }
0xe: {  	[smem:$0x3FA8] =	sst s6  }
0xf: {  	[smem:$0x3FA9] =	sst s7  }
0x10: {  	[smem:$0x3FAA] =	sst s8  }
0x11: {  	[smem:$0x3FAB] =	sst s9;
	s0 =	simm.s32 @!p0 $0x0  }
0x12: {  	s1 =	sld [smem:$0x3F91];
	s0 =	simm.s32 @p0 $0x1  }
0x13: {  	[smem:$0x3FAC] =	sst s0;
	s0 =	simm.s32 @!p1 $0x0  }
0x14: {  	s2 =	sld [smem:$0x3F90];
	s0 =	simm.s32 @p1 $0x1  }
0x15: {  	[smem:$0x3FAD] =	sst s0;
	s0 =	simm.s32 @!p2 $0x0  }
0x16: {  	s3 =	sld [smem:$0x3FDB];
	s0 =	simm.s32 @p2 $0x1  }
0x17: {  	s4 =	simm.s32 $0x1BF5;
	[smem:$0x3FAF] =	sst s0  }
0x18: {  	s0 =	sld [smem:$0x3F92];
	_ =	swait.ge [sflag:s4], $0x0  }
0x19: {  	s7 =	sld [smem:$0x3F93]  }
0x1a: {  	s8 =	sadd.s32 $0xFFFFE003, lr  }
0x1b: {  	s9 =	sadd.s32 $0xFFFFFEF7, lr;
	s5 =	simm.s32 $0xFFFFFFFF;
	p2 =	slt.u32 s8, $0xFFFFF086  }
0x1c: {  	p1 =	slt.u32 s9, $0xF7A;
	s5 =	simm.s32 @!p2 $0x0  }
0x1d: {  	s5 =	simm.s32 @p1 $0x1;
	p0 =	seq.s32 s7, s2  }
0x1e: {  	s7 =	smul.u32 @!p0 $0xF7A, s2;
	p2 =	seq.s32 @!p0 s5, $0x0  }
0x1f: {  	s9 =	smul.u32 $0xF7A, s1;
	s8 =	simm.s32 @!p0 $0x1BF5;
	p2 =	por !p2, p0  }
0x20: {  	[sflag:s8] =	ssyncset.s32 @!p0 $0xFFFFF086;
	s6 =	sadd.s32 @!p0 s3, s7;
	s7 =	simm.s32 @!p0 $0x108  }
0x21: {  	s3 =	sadd.s32 s3, s9;
	s6 =	sadd.s32 @!p0 $0x88, s6;
	s7 =	simm.s32 @p2 $0x1082  }
0x22: {  	[simem:s7], [sflag:s8] =	dma.local @!p0 [hbm:s6], $0xF7A  }
0x23: {  	s9 =	sor.u32 $0xD0000000, s2;
	s6 =	simm.s32 $0x108;
	_ =	swait.ge @!p0 [sflag:s8], $0x0  }
0x24: {  	s3 =	sadd.s32 $0x88, s3;
	s6 =	simm.s32 @!p1 $0x1082;
	[sflag:s4] =	ssyncset.s32 $0xFFFFF086  }
0x25: {  	[simem:s6], [sflag:s4] =	dma.local [hbm:s3], $0xF7A  }
0x26: {  	[smem:$0x3F93] =	sst s1;
	(tag) =	ssettag s2;
	_ =	strace s9  }
0x27: {  	s1 =	sld [smem:$0x3FA3]  }
0x28: {  	s2 =	sld [smem:$0x3FA4]  }
0x29: {  	s4 =	sld [smem:$0x3FA6]  }
0x2a: {  	p0 =	seq.s32 s5, $0x0;
	s5 =	sld [smem:$0x3FA7]  }
0x2b: {  	s6 =	sld [smem:$0x3FA8]  }
0x2c: {  	s7 =	sld [smem:$0x3FA9]  }
0x2d: {  	s3 =	simm.s32 $0x108;
	s8 =	sld [smem:$0x3FAA]  }
0x2e: {  	s3 =	simm.s32 @!p0 $0x1082;
	s9 =	sld [smem:$0x3FAB]  }
0x2f: {  	lr =	sadd.s32 s0, s3;
	s0 =	sld [smem:$0x3FA2]  }
0x30: {  	s3 =	sld [smem:$0x3FA5]  }
0x31: {  	[smem:$0x3FAE] =	sst s10  }
0x32: {  	s10 =	sld [smem:$0x3FAC];
	_ =	sdelay $0x3  }
0x33: {  	p0 =	seq.s32 s10, $0x1;
	s10 =	sld [smem:$0x3FAE];
	_ =	sdelay $0x3  }
0x34: {  	[smem:$0x3FAE] =	sst s10  }
0x35: {  	s10 =	sld [smem:$0x3FAD];
	_ =	sdelay $0x3  }
0x36: {  	p1 =	seq.s32 s10, $0x1;
	s10 =	sld [smem:$0x3FAE];
	_ =	sdelay $0x3  }
0x37: {  	[smem:$0x3FAE] =	sst s10  }
0x38: {  	s10 =	sld [smem:$0x3FAF]  }
0x39: {  	_ = 	snop;
	(pc) =	sbr.ind lr, $3  }
0x3a: {  	_ = 	snop  }
0x3b: {  	_ = 	snop  }
0x3c: {  	p2 =	seq.s32 s10, $0x1;
	s10 =	sld [smem:$0x3FAE]  }
0x3d: {  	_ =	shalt  }
0x3e: {  	_ =	shalt  }
0x3f: {  	_ =	shalt  }
0x40: {  	_ =	shalt  }
0x41: {  	_ =	shalt  }
0x42: {  	_ =	shalt  }
0x43: {  	_ =	shalt  }
0x44: {  	_ =	shalt  }
0x45: {  	_ =	shalt  }
0x46: {  	_ =	shalt  }
0x47: {  	_ =	shalt  }
0x48: {  	_ =	shalt  }
0x49: {  	_ =	shalt  }
0x4a: {  	_ =	shalt  }
0x4b: {  	_ =	shalt  }
0x4c: {  	_ =	shalt  }
0x4d: {  	_ =	shalt  }
0x4e: {  	_ =	shalt  }
0x4f: {  	_ =	shalt  }
0x50: {  	_ =	shalt  }
0x51: {  	_ =	shalt  }
0x52: {  	_ =	shalt  }
0x53: {  	_ =	shalt  }
0x54: {  	_ =	shalt  }
0x55: {  	_ =	shalt  }
0x56: {  	_ =	shalt  }
0x57: {  	_ =	shalt  }
0x58: {  	_ =	shalt  }
0x59: {  	_ =	shalt  }
0x5a: {  	_ =	shalt  }
0x5b: {  	_ =	shalt  }
0x5c: {  	_ =	shalt  }
0x5d: {  	_ =	shalt  }
0x5e: {  	_ =	shalt  }
0x5f: {  	_ =	shalt  }
0x60: {  	_ =	shalt  }
0x61: {  	_ =	shalt  }
0x62: {  	_ =	shalt  }
0x63: {  	_ =	shalt  }
0x64: {  	_ =	shalt  }
0x65: {  	_ =	shalt  }
0x66: {  	_ =	shalt  }
0x67: {  	_ =	shalt  }
0x68: {  	_ =	shalt  }
0x69: {  	_ =	shalt  }
0x6a: {  	_ =	shalt  }
0x6b: {  	_ =	shalt  }
0x6c: {  	_ =	shalt  }
0x6d: {  	_ =	shalt  }
0x6e: {  	_ =	shalt  }
0x6f: {  	_ =	shalt  }
0x70: {  	_ =	shalt  }
0x71: {  	_ =	shalt  }
0x72: {  	_ =	shalt  }
0x73: {  	_ =	shalt  }
0x74: {  	_ =	shalt  }
0x75: {  	_ =	shalt  }
0x76: {  	_ =	shalt  }
0x77: {  	_ =	shalt  }
0x78: {  	_ =	shalt  }
0x79: {  	_ =	shalt  }
0x7a: {  	_ =	shalt  }
0x7b: {  	_ =	shalt  }
0x7c: {  	_ =	shalt  }
0x7d: {  	_ =	shalt  }
0x7e: {  	_ =	shalt  }
0x7f: {  	_ =	shalt  }
0x80: {  	_ =	shalt  }
0x81: {  	_ =	shalt  }
0x82: {  	_ =	shalt  }
0x83: {  	_ =	shalt  }
0x84: {  	_ =	shalt  }
0x85: {  	_ =	shalt  }
0x86: {  	_ =	shalt  }
0x87: {  	_ =	shalt  }
.Lfunc_end0:
.L_simem_size_0:
called_computation.1_lowered:
.L_overlay_start_0:
0x88: {  	s2 =	sld [smem:$0x3FD9]  }
0x89: {  	s3 =	sld [smem:$0x3FFE];
	_ =	sdelay $0x1  }
0x8a: {  	s1 =	srdreg.scid  }
0x8b: {  	s0 =	sand.u32 $0x1, s1  }
0x8c: {  	s14 =	sshll.u32 s0, $0xA;
	s2 =	sadd.s32 s3, s2  }
0x8d: {  	s2 =	sadd.s32 s2, s14  }
0x8e: {  	[smem:$0x3FBA] =	sst s2  }
0x8f: {  	_ = 	snop  }
0x90: {  	s2 =	sld [smem:$0x3FD0];
	_ =	sdelay $0x2  }
0x91: {  	s15 =	simm.s32 $0xA;
	s4 =	simm.s32 $0x10  }
0x92: {  	[smem:s4], [sflag:s15] =	dma.local [hbm:s2], $0x1  }
0x93: {  	_ =	swait.eq [sflag:s15], $0x1  }
0x94: {  	[sflag:s15] =	ssyncset.done $0x0  }
0x95: {  	[sflag:s15] =	ssyncadd.s32 $0xFFFFFFFF  }
0x96: {  	s16 =	sld [smem:$0x11];
	(tm) =	ssettm $0x1  }
0x97: {  	s17 =	sld [smem:$0x3FFB];
	_ =	sdelay $0x3  }
0x98: {  	_ =	strace s17  }
0x99: {  	s3 =	sld [smem:$0x3FFC];
	_ =	sdelay $0x3  }
0x9a: {  	_ =	strace s3  }
0x9b: {  	s3 =	sld [smem:$0x3FFD];
	_ =	sdelay $0x3  }
0x9c: {  	_ =	strace s3  }
0x9d: {  	_ =	strace $0x8FFFFFFF  }
0x9e: {  	s18 =	sld [smem:$0x3FDB];
	_ =	sdelay $0x1  }
0x9f: {  	s19 =	simm.s32 $_scs_section_size  }
0xa0: {  	s5 =	simm.s32 $_size__tile_overlayer_lowered;
	s6 =	simm.s32 $_tile_overlayer_lowered  }
0xa1: {  	s22 =	simm.s32 $0x1BFF;
	s21 =	sshll.u32 s6, $0x1;
	s3 =	sadd.s32 s19, s18  }
0xa2: {  	s7 =	simm.s32 $0x0;
	s20 =	sshll.u32 s5, $0x1;
	s5 =	sadd.s32 s21, s3  }
0xa3: {  	[timem:s7], [sflag:s22] =	dma.local [hbm:s5], s20  }
0xa4: {  	_ =	swait.ge [sflag:s22], s20  }
0xa5: {  	s4 =	ssub.s32 $0x0, s20;
	[sflag:s22] =	ssyncset.done $0x0  }
0xa6: {  	[sflag:s22] =	ssyncadd.s32 s4;
	_ =	sdelay $0x1  }
0xa7: {  	s23 =	simm.s32 $0x1B8B  }
0xa8: {  	_ =	swait.ge [sflag:s23], $0x1  }
0xa9: {  	[sflag:s23] =	ssyncset.done $0x0  }
0xaa: {  	s25 =	simm.s32 $0x1B8E;
	s24 =	sld [smem:$0x3FFE];
	[sflag:s23] =	ssyncadd.s32 $0xFFFFFFFF  }
0xab: {  	s26 =	simm.s32 $execute0_lowered;
	[smem:$0x3FD2] =	sst s25  }
0xac: {  	s5 =	sshll.u32 s26, $0x1;
	_ =	strace $0x80000049;
	[dreg:$0x1] =	wrdreg $0xFFFFFFFF  }
0xad: {  	s28 =	simm.s32 $_size_execute0_lowered;
	s3 =	sadd.s32 s3, s5;
	[dreg:$0x0] =	wrdreg $0x0  }
0xae: {  	s5 =	sshll.u32 s28, $0x1;
	[dreg:$0x2] =	wrdreg s3  }
0xaf: {  	[dreg:$0x3] =	wrdreg s5  }
0xb0: {  	[dreg:$0x4] =	wrdreg $0xC0  }
0xb1: {  	_ =	task [dreg:s7], $0x5FFFF  }
0xb2: {  	[dreg:$0x1] =	wrdreg $0xFFFFFFFF  }
0xb3: {  	[dreg:$0x0] =	wrdreg $0x60  }
0xb4: {  	[dreg:$0x2] =	wrdreg s16  }
0xb5: {  	[dreg:$0x3] =	wrdreg s24  }
0xb6: {  	[dreg:$0x4] =	wrdreg $0xC3000  }
0xb7: {  	[dreg:$0x5] =	wrdreg $0x9  }
0xb8: {  	_ =	task.clear_ibuf [dreg:s7], $0x6FFFF;
	_ =	strace $0x90000049  }
0xb9: {  	s29 =	simm.s32 $0x9;
	_ =	strace $0x8000004B  }
0xba: {  	_ =	swait.ge [sflag:s29], $0x1  }
0xbb: {  	[sflag:s29] =	ssyncadd.s32 $0xFFFFFFFF  }
0xbc: {  	_ =	strace $0x9000004B  }
0xbd: {  	_ =	sfence  }
0xbe: {  	s30 =	sld [smem:$0x0];
	_ =	sdelay $0x2  }
0xbf: {  	s31 =	sshll.u32 s1, $0xD;
	s1 =	sshrl.u32 s1, $0x2  }
0xc0: {  	s3 =	sand.u32 $0x4000, s31;
	s1 =	sadd.s32 s1, s30  }
0xc1: {  	s0 =	sor.u32 s3, s0;
	s1 =	sshll.u32 s1, $0x11  }
0xc2: {  	s0 =	sor.u32 s1, s0  }
0xc3: {  	s0 =	sadd.s32 $0x8F2B, s0  }
0xc4: {  	[sflag:s0] =	ssyncadd.remote.s32 $0x1  }
0xc5: {  	_ =	sfence.sel $0xFFFF  }
0xc6: {  	[dreg:$0x0] =	wrdreg $0xFFFFFFFF;
	(pc) =	sbr.abs _section_cstart, $3  }
0xc7: {  	[dreg:$0x1] =	wrdreg $0xFFFFFFFF  }
0xc8: {  	_ =	task.clear_ibuf [dreg:s7], $0x2FFFF;
	_ =	strace $0x9FFFFFFF  }
0xc9: {  	(tm) =	ssettm $0x7FFFFFFF  }
tec
execute0_lowered:
.L_overlay_start_1:
0x0: {  	(tag) =	ssettag $0x1  }
0x1: {  	s1 =	rddreg [dreg:$0x0]  }
0x2: {  	s0 =	rddreg [dreg:$0x1]  }
0x3: {  	s2 =	rddreg [dreg:$0x2];
	s3 =	simm.s32 $0x0  }
0x4: {  	s6 =	srdreg.scid;
	s7 =	stileid.u32;
	s28 =	simm.s32 $0x80  }
0x5: {  	s29 =	simm.s32 $0x300;
	s30 =	simm.s32 $0x200;
	s31 =	simm.s32 $0x4300  }
0x6: {  	[smem:$0x7FF] =	sst s3;
	s4 =	sadd.s32 $0xC200, s0;
	s5 =	sadd.s32 $0x2400, s0  }
0x7: {  	s0 =	sadd.s32 $0x16000, s0;
	s6 =	sand.u32 $0x1, s6;
	s10 =	smul.u32 $0x4E000, s7  }
0x8: {  	s12 =	smul.u32 $0x13800, s7;
	s25 =	sshll.u32 s7, $0x6;
	s26 =	sadd.s32 $0x138000, s2  }
0x9: {  	s19 =	smul.u32 $0x2780, s7;
	p0 =	sne.s32 s7, $0x0;
	_ =	strace $0x8000004A  }
0xa: {  	s8 =	ssub.s32 $0x2, s6;
	s9 =	sshll.u32 s6, $0x4;
	s17 =	smul.u32 $0x138800, s6  }
0xb: {  	s14 =	sor.u32 $0x1C0D, s25;
	[dreg:$0x7] =	wrdreg s26;
	s6 =	smul.u32 $0x27800, s6  }
0xc: {  	s11 =	sshrl.u32 s8, $0x1;
	s9 =	sor.u32 s7, s9;
	s10 =	sshrl.u32 s10, $0x2  }
0xd: {  	s24 =	sshrl.u32 s12, $0x3;
	s7 =	simm.s32 $0x8300;
	[dreg:$0x6] =	wrdreg s14  }
0xe: {  	s8 =	ssub.s32 s8, s11;
	s9 =	smul.u32 $0x2780, s9;
	s10 =	sadd.s32 s10, s2  }
0xf: {  	s11 =	sadd.s32 $0x27000, s1;
	s20 =	sadd.s32 s12, s17;
	s6 =	sadd.s32 s19, s6  }
0x10: {  	s12 =	simm.s32 $0x4;
	s19 =	simm.s32 $0x8;
	[dreg:$0x4] =	wrdreg s10  }
0x11: {  	s10 =	sadd.s32 s1, s24;
	[dreg:$0x8] =	wrdreg s11;
	s11 =	sshrl.u32 s17, $0x3  }
0x12: {  	s22 =	sadd.s32 $0x200, s6;
	s8 =	smax.u32 s8, $0x1;
	s23 =	sadd.s32 $0x280, s6  }
0x13: {  	s24 =	sadd.s32 $0x100, s6;
	s26 =	sadd.s32 $0x180, s6;
	s6 =	simm.s32 $0x280  }
0x14: {  	s17 =	simm.s32 $0x0;
	[dreg:$0x5] =	wrdreg s10;
	s9 =	sshrl.u32 s9, $0x3  }
0x15: {  	s11 =	sadd.s32 s0, s11;
	[dreg:$0x11] =	wrdreg s8;
	s8 =	sshrl.u32 s23, $0x3  }
0x16: {  	s25 =	sshrl.u32 s24, $0x3;
	[dreg:$0x12] =	wrdreg s26;
	s24 =	simm.s32 $0x180  }
0x17: {  	s26 =	simm.s32 $0x280;
	s13 =	sadd.s32 s4, s9;
	s15 =	sadd.s32 s5, s9  }
0x18: {  	s16 =	sadd.s32 $0x10, s9;
	s9 =	sadd.s32 $0x20, s9;
	[dreg:$0x9] =	wrdreg s13  }
0x19: {  	s21 =	sadd.s32 $0x27000, s11;
	s23 =	sadd.s32 s25, s5;
	[dreg:$0xa] =	wrdreg s15  }
0x1a: {  	s11 =	simm.s32 $0xA;
	s13 =	sadd.s32 s4, s16;
	[dreg:$0x10] =	wrdreg s21  }
0x1b: {  	s10 =	sadd.s32 s5, s16;
	s18 =	sadd.s32 s4, s9;
	[dreg:$0xb] =	wrdreg s13  }
0x1c: {  	s9 =	sadd.s32 s5, s9;
	s15 =	simm.s32 $0xD;
	[dreg:$0xc] =	wrdreg s10  }
.Ltmp0:
0x1d: {  	s16 =	simm.s32 $0xB;
	[dreg:$0xd] =	wrdreg s18;
	(pc) =	sbr.rel .LBB2_1-.Ltmp0, $4  }
0x1e: {  	[dreg:$0xe] =	wrdreg s9;
	s9 =	sshrl.u32 s20, $0x3;
	s10 =	simm.s32 $0x2  }
0x1f: {  	s13 =	simm.s32 $0x3;
	s18 =	simm.s32 $0x5;
	s0 =	sadd.s32 s0, s9  }
0x20: {  	s9 =	simm.s32 $0x1;
	[dreg:$0xf] =	wrdreg s0;
	s0 =	sshrl.u32 s22, $0x3  }
0x21: {  	s22 =	sadd.s32 s8, s4;
	s20 =	sadd.s32 s0, s5;
	s21 =	sadd.s32 s0, s4  }
.LBB2_4:
0x22: {  	s0 =	simm.s32 $0x9  }
0x23: {  	_ =	swait.ge [sflag:s0], $0x80  }
0x24: {  	[sflag:s0] =	ssyncset.done $0x0  }
0x25: {  	s6 =	simm.s32 $0x280;
	[sflag:s0] =	ssyncadd.s32 $0xFFFFFF80  }
0x26: {  	[spmem:s2] =	stream.indirect.scatter.add.f32 [tilespmem:s7], [sflag:$0xC], $0x80, s6, s28, $0xb8;
	[tilespmem:$0x1FC00] =	vst v63  }
0x27: {  	_ =	swait.ge [sflag:s9], $0x4000  }
0x28: {  	[sflag:s9] =	ssyncset.done $0x0  }
0x29: {  	s14 =	simm.s32 $0x7;
	[sflag:s9] =	ssyncadd.s32 $0xFFFFC000  }
0x2a: {  	_ =	swait.ge [sflag:s14], $0x80  }
0x2b: {  	[sflag:s14] =	ssyncset.done $0x0  }
0x2c: {  	[sflag:s14] =	ssyncadd.s32 $0xFFFFFF80  }
0x2d: {  	[spmem:s2] =	stream.indirect.scatter.add.f32 [tilespmem:s29], [sflag:$0xA], $0x80, s24, s28, $0xb8;
	[tilespmem:$0x1FC00] =	vst v63  }
0x2e: {  	_ =	swait.ge [sflag:s16], $0x4000  }
0x2f: {  	[sflag:s16] =	ssyncset.done $0x0  }
0x30: {  	s15 =	simm.s32 $0xC;
	[sflag:s16] =	ssyncadd.s32 $0xFFFFC000  }
0x31: {  	_ =	swait.ge [sflag:s15], $0x4000  }
0x32: {  	[sflag:s15] =	ssyncset.done $0x0  }
0x33: {  	[sflag:s15] =	ssyncadd.s32 $0xFFFFC000  }
0x34: {  	_ =	swait.ge [sflag:s11], $0x4000  }
0x35: {  	[sflag:s11] =	ssyncset.done $0x0  }
0x36: {  	[sflag:s11] =	ssyncadd.s32 $0xFFFFC000  }
0x37: {  	[bflag:$0x0] =	sbarrier.arrive $0xFFFF  }
0x38: {  	s14 =	rddreg [dreg:$0x6]  }
0x39: {  	s17 =	rddreg [dreg:$0xf]  }
0x3a: {  	s15 =	simm.s32 $0xD;
	s8 =	rddreg [dreg:$0x14]  }
0x3b: {  	[hbm:s17], [sflag:s14] =	dma.local [spmem:s8], $0x2700  }
0x3c: {  	_ =	swait.ge [sflag:s15], $0x2700  }
0x3d: {  	[sflag:s15] =	ssyncset.done $0x0;
	s0 =	rddreg [dreg:$0x10]  }
0x3e: {  	s8 =	rddreg [dreg:$0x15];
	[sflag:s15] =	ssyncadd.s32 $0xFFFFD900  }
0x3f: {  	[hbm:s0], [sflag:s14] =	dma.local @!p0 [spmem:s8], $0x100  }
0x40: {  	s0 =	simm.s32 @!p0 $0xD  }
0x41: {  	_ =	swait.ge @!p0 [sflag:s0], $0x100  }
0x42: {  	s17 =	rddreg [dreg:$0x13]  }
0x43: {  	s25 =	rddreg [dreg:$0x11];
	s17 =	sadd.s32 $0x1, s17  }
0x44: {  	p1 =	sne.s32 s17, s25  }
.Ltmp1:
0x45: {  	_ = 	snop;
	(pc) =	sbr.rel @!p1 .LBB2_5-.Ltmp1, $3  }
0x46: {  	_ =	sdelay $0x1  }
0x47: {  	[sflag:s0] =	ssyncset.done @!p0 $0x0  }
0x48: {  	[sflag:s0] =	ssyncadd.s32 @!p0 $0xFFFFFF00  }
.LBB2_1:
0x49: {  	[dreg:$0x13] =	wrdreg s17  }
0x4a: {  	s0 =	rddreg [dreg:$0x4]  }
0x4b: {  	s25 =	rddreg [dreg:$0x5];
	s8 =	sshrl.u32 s0, $0x3  }
0x4c: {  	[dreg:$0x14] =	wrdreg s8  }
0x4d: {  	[spmem:s8], [sflag:s14] =	dma.local [hbm:s25], $0x2700  }
0x4e: {  	_ =	swait.ge [sflag:s15], $0x2700  }
0x4f: {  	s0 =	rddreg [dreg:$0x7]  }
0x50: {  	[sflag:s15] =	ssyncset.done $0x0;
	s8 =	sshrl.u32 @!p0 s0, $0x3;
	s0 =	rddreg [dreg:$0x8]  }
0x51: {  	[sflag:s15] =	ssyncadd.s32 $0xFFFFD900;
	[dreg:$0x15] =	wrdreg s8  }
0x52: {  	[spmem:s8], [sflag:s14] =	dma.local @!p0 [hbm:s0], $0x100  }
0x53: {  	s8 =	simm.s32 @!p0 $0xD  }
0x54: {  	_ =	swait.ge @!p0 [sflag:s8], $0x100  }
0x55: {  	[sflag:s8] =	ssyncset.done @!p0 $0x0  }
0x56: {  	[sflag:s8] =	ssyncadd.s32 @!p0 $0xFFFFFF00  }
0x57: {  	[bflag:$0x0] =	sbarrier.arrive $0xFFFF  }
0x58: {  	s17 =	rddreg [dreg:$0x9]  }
0x59: {  	[tilespmem:s3], [sflag:$0xD] =	stream.linear.gather [hbm4b:s17+s3], $0x80, $0x38;
	[tilespmem:$0x1FC00] =	vst v63  }
0x5a: {  	_ =	swait.ge [sflag:s15], $0x80  }
0x5b: {  	[sflag:s15] =	ssyncset.done $0x0  }
0x5c: {  	s25 =	rddreg [dreg:$0xa];
	[sflag:s15] =	ssyncadd.s32 $0xFFFFFF80  }
0x5d: {  	[tilespmem:s24], [sflag:$0xD] =	stream.linear.gather [hbm4b:s25+s3], $0x80, $0x38;
	[tilespmem:$0x1FC00] =	vst v63  }
0x5e: {  	_ =	swait.ge [sflag:s15], $0x80  }
0x5f: {  	[sflag:s15] =	ssyncset.done $0x0  }
0x60: {  	[sflag:s15] =	ssyncadd.s32 $0xFFFFFF80  }
0x61: {  	[tilespmem:s29], [sflag:$0x1] =	stream.indirect.gather [hbm4b:s1+s28], $0x80, s3, s28, $0xb8;
	[tilespmem:$0x1FC00] =	vst v63  }
0x62: {  	s8 =	rddreg [dreg:$0xb]  }
0x63: {  	[tilespmem:s28], [sflag:$0xD] =	stream.linear.gather [hbm4b:s8+s3], $0x80, $0x38;
	[tilespmem:$0x1FC00] =	vst v63  }
0x64: {  	_ =	swait.ge [sflag:s15], $0x80  }
0x65: {  	[sflag:s15] =	ssyncset.done $0x0  }
0x66: {  	s14 =	rddreg [dreg:$0xc];
	[sflag:s15] =	ssyncadd.s32 $0xFFFFFF80  }
0x67: {  	[tilespmem:s30], [sflag:$0xD] =	stream.linear.gather [hbm4b:s14+s3], $0x80, $0x38;
	[tilespmem:$0x1FC00] =	vst v63  }
0x68: {  	_ =	swait.ge [sflag:s15], $0x80  }
0x69: {  	[sflag:s15] =	ssyncset.done $0x0  }
0x6a: {  	[sflag:s15] =	ssyncadd.s32 $0xFFFFFF80  }
0x6b: {  	[tilespmem:s31], [sflag:$0x2] =	stream.indirect.gather [hbm4b:s1+s28], $0x80, s28, s28, $0xb8;
	[tilespmem:$0x1FC00] =	vst v63  }
0x6c: {  	s24 =	simm.s32 $0x100;
	s17 =	rddreg [dreg:$0xd]  }
0x6d: {  	[tilespmem:s24], [sflag:$0xD] =	stream.linear.gather [hbm4b:s17+s3], $0x80, $0x38;
	[tilespmem:$0x1FC00] =	vst v63  }
0x6e: {  	_ =	swait.ge [sflag:s15], $0x80  }
0x6f: {  	[sflag:s15] =	ssyncset.done $0x0  }
0x70: {  	s25 =	rddreg [dreg:$0xe];
	[sflag:s15] =	ssyncadd.s32 $0xFFFFFF80  }
0x71: {  	[tilespmem:s6], [sflag:$0xD] =	stream.linear.gather [hbm4b:s25+s3], $0x80, $0x38;
	[tilespmem:$0x1FC00] =	vst v63  }
0x72: {  	_ =	swait.ge [sflag:s15], $0x80  }
0x73: {  	s8 =	simm.s32 $0x0;
	[sflag:s15] =	ssyncset.done $0x0  }
0x74: {  	s6 =	simm.s32 $0x100;
	s17 =	rddreg [dreg:$0x12];
	[sflag:s15] =	ssyncadd.s32 $0xFFFFFF80  }
0x75: {  	[tilespmem:s7], [sflag:$0x3] =	stream.indirect.gather [hbm4b:s1+s28], $0x80, s24, s28, $0xb8;
	[tilespmem:$0x1FC00] =	vst v63  }
.LBB2_2:
0x76: {  	_ =	swait.ge [sflag:s9], $0x4000  }
0x77: {  	s14 =	sshrl.u32 s17, $0x3;
	[sflag:s9] =	ssyncset.done $0x0  }
0x78: {  	p1 =	sne.s32 s8, $0x0;
	s15 =	sadd.s32 s4, s14;
	[sflag:s9] =	ssyncadd.s32 $0xFFFFC000  }
0x79: {  	[tilespmem:s3], [sflag:$0x4] =	stream.linear.gather [hbm4b:s15+s3], $0x80, $0x38;
	[tilespmem:$0x1FC00] =	vst v63  }
0x7a: {  	s15 =	simm.s32 @p1 $0x7  }
0x7b: {  	_ =	swait.ge @p1 [sflag:s15], $0x80  }
0x7c: {  	s24 =	simm.s32 @p1 $0x180;
	[sflag:s15] =	ssyncset.done @p1 $0x0  }
0x7d: {  	s25 =	simm.s32 @p1 $0x300;
	[sflag:s15] =	ssyncadd.s32 @p1 $0xFFFFFF80;
	s15 =	simm.s32 @p1 $0x80  }
0x7e: {  	[spmem:s2] =	stream.indirect.scatter.add.f32 @p1 [tilespmem:s25], [sflag:$0xA], $0x80, s24, s15, $0xb8;
	[tilespmem:$0x1FC00] =	vst v63  }
0x7f: {  	s24 =	simm.s32 @p1 $0xC  }
0x80: {  	_ =	swait.ge @p1 [sflag:s24], $0x4000  }
0x81: {  	s0 =	simm.s32 @p1 $0x280;
	[sflag:s24] =	ssyncset.done @p1 $0x0  }
0x82: {  	s25 =	simm.s32 @p1 $0x0;
	[sflag:s24] =	ssyncadd.s32 @p1 $0xFFFFC000;
	s24 =	sadd.s32 @p1 s8, s23  }
0x83: {  	[tilespmem:s0], [sflag:$0x9] =	stream.linear.gather @p1 [hbm4b:s24+s25], $0x80, $0x38;
	[tilespmem:$0x1FC00] =	vst v63  }
0x84: {  	s0 =	simm.s32 @p1 $0x6  }
0x85: {  	_ =	swait.ge @p1 [sflag:s0], $0x80  }
0x86: {  	[sflag:s0] =	ssyncset.done @p1 $0x0  }
0x87: {  	s24 =	simm.s32 @p1 $0x8300;
	[sflag:s0] =	ssyncadd.s32 @p1 $0xFFFFFF80;
	s0 =	simm.s32 @p1 $0x100  }
0x88: {  	[tilespmem:s24], [sflag:$0x3] =	stream.indirect.gather @p1 [hbm4b:s1+s15], $0x80, s0, s15, $0xb8;
	[tilespmem:$0x1FC00] =	vst v63  }
0x89: {  	s0 =	simm.s32 @!p1 $0x80;
	s15 =	simm.s32 @!p1 $0x180;
	s24 =	simm.s32 @!p1 $0x300  }
0x8a: {  	[spmem:s2] =	stream.indirect.scatter.add.f32 @!p1 [tilespmem:s24], [sflag:$0xA], $0x80, s15, s0, $0xb8;
	[tilespmem:$0x1FC00] =	vst v63  }
0x8b: {  	p1 =	seq.s32 s8, $0x4B0  }
0x8c: {  	_ =	swait.ge [sflag:s10], $0x4000;
	p2 =	seq.s32 @!p1 s8, $0x0  }
0x8d: {  	s0 =	sadd.s32 @!p1 s8, s21;
	s15 =	simm.s32 @!p1 $0x0;
	[sflag:s10] =	ssyncset.done $0x0  }
0x8e: {  	s24 =	simm.s32 @!p1 $0x80;
	p2 =	por p1, !p2;
	[sflag:s10] =	ssyncadd.s32 $0xFFFFC000  }
0x8f: {  	[tilespmem:s24], [sflag:$0x5] =	stream.linear.gather @!p1 [hbm4b:s0+s15], $0x80, $0x38;
	[tilespmem:$0x1FC00] =	vst v63  }
0x90: {  	_ =	swait.ge @p2 [sflag:s19], $0x80  }
0x91: {  	[sflag:s19] =	ssyncset.done @p2 $0x0  }
0x92: {  	[sflag:s19] =	ssyncadd.s32 @p2 $0xFFFFFF80  }
0x93: {  	[spmem:s2] =	stream.indirect.scatter.add.f32 [tilespmem:s31], [sflag:$0xB], $0x80, s30, s28, $0xb8;
	[tilespmem:$0x1FC00] =	vst v63  }
0x94: {  	_ =	swait.ge [sflag:s11], $0x4000  }
0x95: {  	[sflag:s11] =	ssyncset.done $0x0  }
0x96: {  	s25 =	sadd.s32 s5, s14;
	s24 =	simm.s32 $0x180;
	[sflag:s11] =	ssyncadd.s32 $0xFFFFC000  }
0x97: {  	[tilespmem:s24], [sflag:$0x7] =	stream.linear.gather [hbm4b:s25+s3], $0x80, $0x38;
	[tilespmem:$0x1FC00] =	vst v63  }
0x98: {  	_ =	swait.ge [sflag:s12], $0x80  }
0x99: {  	[sflag:s12] =	ssyncset.done $0x0  }
.Ltmp2:
0x9a: {  	[sflag:s12] =	ssyncadd.s32 $0xFFFFFF80;
	(pc) =	sbr.rel @p1 .LBB2_4-.Ltmp2, $4  }
0x9b: {  	[tilespmem:s29], [sflag:$0x1] =	stream.indirect.gather [hbm4b:s1+s28], $0x80, s3, s28, $0xb8;
	[tilespmem:$0x1FC00] =	vst v63  }
0x9c: {  	_ =	swait.ge [sflag:s13], $0x4000  }
0x9d: {  	[sflag:s13] =	ssyncset.done $0x0  }
0x9e: {  	[sflag:s13] =	ssyncadd.s32 $0xFFFFC000  }
0x9f: {  	p1 =	seq.s32 s8, $0x0;
	s0 =	sadd.s32 s8, s22  }
0xa0: {  	[tilespmem:s6], [sflag:$0x6] =	stream.linear.gather [hbm4b:s0+s3], $0x80, $0x38;
	[tilespmem:$0x1FC00] =	vst v63  }
0xa1: {  	s0 =	simm.s32 @!p1 $0x9  }
0xa2: {  	_ =	swait.ge @!p1 [sflag:s0], $0x80  }
0xa3: {  	[sflag:s0] =	ssyncset.done @!p1 $0x0  }
0xa4: {  	[sflag:s0] =	ssyncadd.s32 @!p1 $0xFFFFFF80  }
0xa5: {  	[spmem:s2] =	stream.indirect.scatter.add.f32 [tilespmem:s7], [sflag:$0xC], $0x80, s26, s28, $0xb8;
	[tilespmem:$0x1FC00] =	vst v63  }
0xa6: {  	_ =	swait.ge [sflag:s16], $0x4000  }
0xa7: {  	[sflag:s16] =	ssyncset.done $0x0  }
0xa8: {  	s25 =	sadd.s32 s8, s20;
	[sflag:s16] =	ssyncadd.s32 $0xFFFFC000  }
0xa9: {  	[tilespmem:s30], [sflag:$0x8] =	stream.linear.gather [hbm4b:s25+s3], $0x80, $0x38;
	[tilespmem:$0x1FC00] =	vst v63  }
.Ltmp3:
0xaa: {  	_ = 	snop;
	(pc) =	sbr.rel .LBB2_2-.Ltmp3, $4  }
0xab: {  	_ =	swait.ge [sflag:s18], $0x80  }
0xac: {  	[sflag:s18] =	ssyncset.done $0x0  }
0xad: {  	s8 =	sadd.s32 $0x30, s8;
	s17 =	sadd.s32 $0x180, s17;
	[sflag:s18] =	ssyncadd.s32 $0xFFFFFF80  }
0xae: {  	[tilespmem:s31], [sflag:$0x2] =	stream.indirect.gather [hbm4b:s1+s28], $0x80, s28, s28, $0xb8;
	[tilespmem:$0x1FC00] =	vst v63  }
.LBB2_5:
0xaf: {  	_ =	sfence.sel $0x180000  }
0xb0: {  	[bflag:$0x0] =	sbarrier.arrive $0xFFFF  }
0xb1: {  	_ =	strace $0x9000004A  }
0xb2: {  	[bflag:$0x2] =	sbarrier.arrive $0xFFFF  }
0xb3: {  	s0 =	rddreg [dreg:$0x3]  }
0xb4: {  	s0 =	sadd.s32 @!p0 $0x100000, s0  }
0xb5: {  	[sflag:s0] =	ssyncadd.tile.s32 @!p0 $0x1;
	_ =	shalt  }
.Lfunc_end2:
_tile_overlayer_lowered:
.L_overlay_start_2:
0xb6: {  	(tag) =	ssettag $0x2  }
0xb7: {  	s0 =	rddreg [dreg:$0x0];
	s2 =	stileid.u32  }
0xb8: {  	s1 =	rddreg [dreg:$0x1];
	p0 =	sne.s32 s2, $0x0  }
0xb9: {  	s3 =	rddreg [dreg:$0x2];
	[bflag:$0x3] =	sbarrier.arrive $0xFFFF;
	s2 =	simm.s32 @!p0 $0x1C0D  }
0xba: {  	[timem:s3], [sflag:s2] =	dma.local @!p0 [hbm:s0], s1  }
0xbb: {  	s0 =	simm.s32 @!p0 $0xD  }
0xbc: {  	_ =	swait.ge @!p0 [sflag:s0], s1  }
0xbd: {  	s1 =	ssub.s32 @!p0 $0x0, s1;
	[sflag:s0] =	ssyncset.done @!p0 $0x0  }
0xbe: {  	[sflag:s0] =	ssyncadd.s32 @!p0 s1  }
0xbf: {  	[bflag:$0x3] =	sbarrier.arrive $0xFFFF  }
0xc0: {  	_ =	shalt  }

// kernel: kernel.7.cloned.1.call-start
scs
__scs_entry_jumppad:
0x0: {  	(pc) =	sbr.rel $0x88, $3  }
0x1: {  	(tag) =	ssettag $0x0;
	lr =	simm.s32 $0x1  }
0x2: {  	[smem:$0x3F93] =	sst lr;
	_ =	strace $0xD0000000  }
0x3: {  	_ = 	snop  }
0x4: {  	_ = 	snop  }
0x5: {  	_ = 	snop  }
0x6: {  	_ = 	snop  }
0x7: {  	_ = 	snop  }
__scs_overlays_trampoline_lowered:
0x8: {  	[smem:$0x3FA2] =	sst s0  }
0x9: {  	[smem:$0x3FA3] =	sst s1  }
0xa: {  	[smem:$0x3FA4] =	sst s2  }
0xb: {  	[smem:$0x3FA5] =	sst s3  }
0xc: {  	[smem:$0x3FA6] =	sst s4  }
0xd: {  	[smem:$0x3FA7] =	sst s5  }
0xe: {  	[smem:$0x3FA8] =	sst s6  }
0xf: {  	[smem:$0x3FA9] =	sst s7  }
0x10: {  	[smem:$0x3FAA] =	sst s8  }
0x11: {  	[smem:$0x3FAB] =	sst s9;
	s0 =	simm.s32 @!p0 $0x0  }
0x12: {  	s1 =	sld [smem:$0x3F91];
	s0 =	simm.s32 @p0 $0x1  }
0x13: {  	[smem:$0x3FAC] =	sst s0;
	s0 =	simm.s32 @!p1 $0x0  }
0x14: {  	s2 =	sld [smem:$0x3F90];
	s0 =	simm.s32 @p1 $0x1  }
0x15: {  	[smem:$0x3FAD] =	sst s0;
	s0 =	simm.s32 @!p2 $0x0  }
0x16: {  	s3 =	sld [smem:$0x3FDB];
	s0 =	simm.s32 @p2 $0x1  }
0x17: {  	s4 =	simm.s32 $0x1BF5;
	[smem:$0x3FAF] =	sst s0  }
0x18: {  	s0 =	sld [smem:$0x3F92];
	_ =	swait.ge [sflag:s4], $0x0  }
0x19: {  	s7 =	sld [smem:$0x3F93]  }
0x1a: {  	s8 =	sadd.s32 $0xFFFFE003, lr  }
0x1b: {  	s9 =	sadd.s32 $0xFFFFFEF7, lr;
	s5 =	simm.s32 $0xFFFFFFFF;
	p2 =	slt.u32 s8, $0xFFFFF086  }
0x1c: {  	p1 =	slt.u32 s9, $0xF7A;
	s5 =	simm.s32 @!p2 $0x0  }
0x1d: {  	s5 =	simm.s32 @p1 $0x1;
	p0 =	seq.s32 s7, s2  }
0x1e: {  	s7 =	smul.u32 @!p0 $0xF7A, s2;
	p2 =	seq.s32 @!p0 s5, $0x0  }
0x1f: {  	s9 =	smul.u32 $0xF7A, s1;
	s8 =	simm.s32 @!p0 $0x1BF5;
	p2 =	por !p2, p0  }
0x20: {  	[sflag:s8] =	ssyncset.s32 @!p0 $0xFFFFF086;
	s6 =	sadd.s32 @!p0 s3, s7;
	s7 =	simm.s32 @!p0 $0x108  }
0x21: {  	s3 =	sadd.s32 s3, s9;
	s6 =	sadd.s32 @!p0 $0x88, s6;
	s7 =	simm.s32 @p2 $0x1082  }
0x22: {  	[simem:s7], [sflag:s8] =	dma.local @!p0 [hbm:s6], $0xF7A  }
0x23: {  	s9 =	sor.u32 $0xD0000000, s2;
	s6 =	simm.s32 $0x108;
	_ =	swait.ge @!p0 [sflag:s8], $0x0  }
0x24: {  	s3 =	sadd.s32 $0x88, s3;
	s6 =	simm.s32 @!p1 $0x1082;
	[sflag:s4] =	ssyncset.s32 $0xFFFFF086  }
0x25: {  	[simem:s6], [sflag:s4] =	dma.local [hbm:s3], $0xF7A  }
0x26: {  	[smem:$0x3F93] =	sst s1;
	(tag) =	ssettag s2;
	_ =	strace s9  }
0x27: {  	s1 =	sld [smem:$0x3FA3]  }
0x28: {  	s2 =	sld [smem:$0x3FA4]  }
0x29: {  	s4 =	sld [smem:$0x3FA6]  }
0x2a: {  	p0 =	seq.s32 s5, $0x0;
	s5 =	sld [smem:$0x3FA7]  }
0x2b: {  	s6 =	sld [smem:$0x3FA8]  }
0x2c: {  	s7 =	sld [smem:$0x3FA9]  }
0x2d: {  	s3 =	simm.s32 $0x108;
	s8 =	sld [smem:$0x3FAA]  }
0x2e: {  	s3 =	simm.s32 @!p0 $0x1082;
	s9 =	sld [smem:$0x3FAB]  }
0x2f: {  	lr =	sadd.s32 s0, s3;
	s0 =	sld [smem:$0x3FA2]  }
0x30: {  	s3 =	sld [smem:$0x3FA5]  }
0x31: {  	[smem:$0x3FAE] =	sst s10  }
0x32: {  	s10 =	sld [smem:$0x3FAC];
	_ =	sdelay $0x3  }
0x33: {  	p0 =	seq.s32 s10, $0x1;
	s10 =	sld [smem:$0x3FAE];
	_ =	sdelay $0x3  }
0x34: {  	[smem:$0x3FAE] =	sst s10  }
0x35: {  	s10 =	sld [smem:$0x3FAD];
	_ =	sdelay $0x3  }
0x36: {  	p1 =	seq.s32 s10, $0x1;
	s10 =	sld [smem:$0x3FAE];
	_ =	sdelay $0x3  }
0x37: {  	[smem:$0x3FAE] =	sst s10  }
0x38: {  	s10 =	sld [smem:$0x3FAF]  }
0x39: {  	_ = 	snop;
	(pc) =	sbr.ind lr, $3  }
0x3a: {  	_ = 	snop  }
0x3b: {  	_ = 	snop  }
0x3c: {  	p2 =	seq.s32 s10, $0x1;
	s10 =	sld [smem:$0x3FAE]  }
0x3d: {  	_ =	shalt  }
0x3e: {  	_ =	shalt  }
0x3f: {  	_ =	shalt  }
0x40: {  	_ =	shalt  }
0x41: {  	_ =	shalt  }
0x42: {  	_ =	shalt  }
0x43: {  	_ =	shalt  }
0x44: {  	_ =	shalt  }
0x45: {  	_ =	shalt  }
0x46: {  	_ =	shalt  }
0x47: {  	_ =	shalt  }
0x48: {  	_ =	shalt  }
0x49: {  	_ =	shalt  }
0x4a: {  	_ =	shalt  }
0x4b: {  	_ =	shalt  }
0x4c: {  	_ =	shalt  }
0x4d: {  	_ =	shalt  }
0x4e: {  	_ =	shalt  }
0x4f: {  	_ =	shalt  }
0x50: {  	_ =	shalt  }
0x51: {  	_ =	shalt  }
0x52: {  	_ =	shalt  }
0x53: {  	_ =	shalt  }
0x54: {  	_ =	shalt  }
0x55: {  	_ =	shalt  }
0x56: {  	_ =	shalt  }
0x57: {  	_ =	shalt  }
0x58: {  	_ =	shalt  }
0x59: {  	_ =	shalt  }
0x5a: {  	_ =	shalt  }
0x5b: {  	_ =	shalt  }
0x5c: {  	_ =	shalt  }
0x5d: {  	_ =	shalt  }
0x5e: {  	_ =	shalt  }
0x5f: {  	_ =	shalt  }
0x60: {  	_ =	shalt  }
0x61: {  	_ =	shalt  }
0x62: {  	_ =	shalt  }
0x63: {  	_ =	shalt  }
0x64: {  	_ =	shalt  }
0x65: {  	_ =	shalt  }
0x66: {  	_ =	shalt  }
0x67: {  	_ =	shalt  }
0x68: {  	_ =	shalt  }
0x69: {  	_ =	shalt  }
0x6a: {  	_ =	shalt  }
0x6b: {  	_ =	shalt  }
0x6c: {  	_ =	shalt  }
0x6d: {  	_ =	shalt  }
0x6e: {  	_ =	shalt  }
0x6f: {  	_ =	shalt  }
0x70: {  	_ =	shalt  }
0x71: {  	_ =	shalt  }
0x72: {  	_ =	shalt  }
0x73: {  	_ =	shalt  }
0x74: {  	_ =	shalt  }
0x75: {  	_ =	shalt  }
0x76: {  	_ =	shalt  }
0x77: {  	_ =	shalt  }
0x78: {  	_ =	shalt  }
0x79: {  	_ =	shalt  }
0x7a: {  	_ =	shalt  }
0x7b: {  	_ =	shalt  }
0x7c: {  	_ =	shalt  }
0x7d: {  	_ =	shalt  }
0x7e: {  	_ =	shalt  }
0x7f: {  	_ =	shalt  }
0x80: {  	_ =	shalt  }
0x81: {  	_ =	shalt  }
0x82: {  	_ =	shalt  }
0x83: {  	_ =	shalt  }
0x84: {  	_ =	shalt  }
0x85: {  	_ =	shalt  }
0x86: {  	_ =	shalt  }
0x87: {  	_ =	shalt  }
.Lfunc_end0:
.L_simem_size_0:
called_computation_lowered:
.L_overlay_start_0:
0x88: {  	s2 =	sld [smem:$0x3FD9]  }
0x89: {  	s3 =	sld [smem:$0x3FFE];
	_ =	sdelay $0x1  }
0x8a: {  	s1 =	srdreg.scid  }
0x8b: {  	s0 =	sand.u32 $0x1, s1  }
0x8c: {  	s14 =	sshll.u32 s0, $0xA;
	s2 =	sadd.s32 s3, s2  }
0x8d: {  	s2 =	sadd.s32 s2, s14  }
0x8e: {  	[smem:$0x3FBA] =	sst s2  }
0x8f: {  	_ = 	snop  }
0x90: {  	s2 =	sld [smem:$0x3FD0];
	_ =	sdelay $0x2  }
0x91: {  	s15 =	simm.s32 $0xA;
	s4 =	simm.s32 $0x10  }
0x92: {  	[smem:s4], [sflag:s15] =	dma.local [hbm:s2], $0x1  }
0x93: {  	_ =	swait.eq [sflag:s15], $0x1  }
0x94: {  	[sflag:s15] =	ssyncset.done $0x0  }
0x95: {  	[sflag:s15] =	ssyncadd.s32 $0xFFFFFFFF  }
0x96: {  	s16 =	sld [smem:$0x11];
	(tm) =	ssettm $0x1  }
0x97: {  	s17 =	sld [smem:$0x3FFB];
	_ =	sdelay $0x3  }
0x98: {  	_ =	strace s17  }
0x99: {  	s3 =	sld [smem:$0x3FFC];
	_ =	sdelay $0x3  }
0x9a: {  	_ =	strace s3  }
0x9b: {  	s3 =	sld [smem:$0x3FFD];
	_ =	sdelay $0x3  }
0x9c: {  	_ =	strace s3  }
0x9d: {  	_ =	strace $0x8FFFFFFF  }
0x9e: {  	s18 =	sld [smem:$0x3FDB];
	_ =	sdelay $0x1  }
0x9f: {  	s19 =	simm.s32 $_scs_section_size  }
0xa0: {  	s5 =	simm.s32 $_size__tile_overlayer_lowered;
	s6 =	simm.s32 $_tile_overlayer_lowered  }
0xa1: {  	s22 =	simm.s32 $0x1BFF;
	s21 =	sshll.u32 s6, $0x1;
	s3 =	sadd.s32 s19, s18  }
0xa2: {  	s7 =	simm.s32 $0x0;
	s20 =	sshll.u32 s5, $0x1;
	s5 =	sadd.s32 s21, s3  }
0xa3: {  	[timem:s7], [sflag:s22] =	dma.local [hbm:s5], s20  }
0xa4: {  	_ =	swait.ge [sflag:s22], s20  }
0xa5: {  	s4 =	ssub.s32 $0x0, s20;
	[sflag:s22] =	ssyncset.done $0x0  }
0xa6: {  	[sflag:s22] =	ssyncadd.s32 s4;
	_ =	sdelay $0x1  }
0xa7: {  	s23 =	simm.s32 $0x1B8B  }
0xa8: {  	_ =	swait.ge [sflag:s23], $0x1  }
0xa9: {  	[sflag:s23] =	ssyncset.done $0x0  }
0xaa: {  	s25 =	simm.s32 $0x1B8E;
	s24 =	sld [smem:$0x3FFE];
	[sflag:s23] =	ssyncadd.s32 $0xFFFFFFFF  }
0xab: {  	s26 =	simm.s32 $execute0_lowered;
	[smem:$0x3FD2] =	sst s25  }
0xac: {  	s5 =	sshll.u32 s26, $0x1;
	_ =	strace $0x80000046;
	[dreg:$0x1] =	wrdreg $0xFFFFFFFF  }
0xad: {  	s28 =	simm.s32 $_size_execute0_lowered;
	s3 =	sadd.s32 s3, s5;
	[dreg:$0x0] =	wrdreg $0x0  }
0xae: {  	s5 =	sshll.u32 s28, $0x1;
	[dreg:$0x2] =	wrdreg s3  }
0xaf: {  	[dreg:$0x3] =	wrdreg s5  }
0xb0: {  	[dreg:$0x4] =	wrdreg $0xC0  }
0xb1: {  	_ =	task [dreg:s7], $0x5FFFF  }
0xb2: {  	[dreg:$0x1] =	wrdreg $0xFFFFFFFF  }
0xb3: {  	[dreg:$0x0] =	wrdreg $0x60  }
0xb4: {  	[dreg:$0x2] =	wrdreg s16  }
0xb5: {  	[dreg:$0x3] =	wrdreg s24  }
0xb6: {  	[dreg:$0x4] =	wrdreg $0xC3000  }
0xb7: {  	[dreg:$0x5] =	wrdreg $0x9  }
0xb8: {  	_ =	task.clear_ibuf [dreg:s7], $0x6FFFF;
	_ =	strace $0x90000046  }
0xb9: {  	s29 =	simm.s32 $0x9;
	_ =	strace $0x80000048  }
0xba: {  	_ =	swait.ge [sflag:s29], $0x1  }
0xbb: {  	[sflag:s29] =	ssyncadd.s32 $0xFFFFFFFF  }
0xbc: {  	_ =	strace $0x90000048  }
0xbd: {  	_ =	sfence  }
0xbe: {  	s30 =	sld [smem:$0x0];
	_ =	sdelay $0x2  }
0xbf: {  	s31 =	sshll.u32 s1, $0xD;
	s1 =	sshrl.u32 s1, $0x2  }
0xc0: {  	s3 =	sand.u32 $0x4000, s31;
	s1 =	sadd.s32 s1, s30  }
0xc1: {  	s0 =	sor.u32 s3, s0;
	s1 =	sshll.u32 s1, $0x11  }
0xc2: {  	s0 =	sor.u32 s1, s0  }
0xc3: {  	s0 =	sadd.s32 $0x8F2B, s0  }
0xc4: {  	[sflag:s0] =	ssyncadd.remote.s32 $0x1  }
0xc5: {  	_ =	sfence.sel $0xFFFF  }
0xc6: {  	[dreg:$0x0] =	wrdreg $0xFFFFFFFF;
	(pc) =	sbr.abs _section_cstart, $3  }
0xc7: {  	[dreg:$0x1] =	wrdreg $0xFFFFFFFF  }
0xc8: {  	_ =	task.clear_ibuf [dreg:s7], $0x2FFFF;
	_ =	strace $0x9FFFFFFF  }
0xc9: {  	(tm) =	ssettm $0x7FFFFFFF  }
tec
execute0_lowered:
.L_overlay_start_1:
0x0: {  	(tag) =	ssettag $0x1  }
0x1: {  	s1 =	rddreg [dreg:$0x0]  }
0x2: {  	s0 =	rddreg [dreg:$0x1]  }
0x3: {  	s2 =	rddreg [dreg:$0x2];
	s3 =	simm.s32 $0x0  }
0x4: {  	s6 =	srdreg.scid;
	s7 =	stileid.u32;
	s28 =	simm.s32 $0x80  }
0x5: {  	s29 =	simm.s32 $0x300;
	s30 =	simm.s32 $0x200;
	s31 =	simm.s32 $0x4300  }
0x6: {  	[smem:$0x7FF] =	sst s3;
	s4 =	sadd.s32 $0xC200, s0;
	s5 =	sadd.s32 $0x2400, s0  }
0x7: {  	s0 =	sadd.s32 $0x16000, s0;
	s6 =	sand.u32 $0x1, s6;
	s10 =	smul.u32 $0x4E000, s7  }
0x8: {  	s12 =	smul.u32 $0x13800, s7;
	s25 =	sshll.u32 s7, $0x6;
	s26 =	sadd.s32 $0x138000, s2  }
0x9: {  	s19 =	smul.u32 $0x2780, s7;
	p0 =	sne.s32 s7, $0x0;
	_ =	strace $0x80000047  }
0xa: {  	s8 =	ssub.s32 $0x2, s6;
	s9 =	sshll.u32 s6, $0x4;
	s17 =	smul.u32 $0x138800, s6  }
0xb: {  	s14 =	sor.u32 $0x1C0D, s25;
	[dreg:$0x7] =	wrdreg s26;
	s6 =	smul.u32 $0x27800, s6  }
0xc: {  	s11 =	sshrl.u32 s8, $0x1;
	s9 =	sor.u32 s7, s9;
	s10 =	sshrl.u32 s10, $0x2  }
0xd: {  	s24 =	sshrl.u32 s12, $0x3;
	s7 =	simm.s32 $0x8300;
	[dreg:$0x6] =	wrdreg s14  }
0xe: {  	s8 =	ssub.s32 s8, s11;
	s9 =	smul.u32 $0x2780, s9;
	s10 =	sadd.s32 s10, s2  }
0xf: {  	s11 =	sadd.s32 $0x27000, s1;
	s20 =	sadd.s32 s12, s17;
	s6 =	sadd.s32 s19, s6  }
0x10: {  	s12 =	simm.s32 $0x4;
	s19 =	simm.s32 $0x8;
	[dreg:$0x4] =	wrdreg s10  }
0x11: {  	s10 =	sadd.s32 s1, s24;
	[dreg:$0x8] =	wrdreg s11;
	s11 =	sshrl.u32 s17, $0x3  }
0x12: {  	s22 =	sadd.s32 $0x200, s6;
	s8 =	smax.u32 s8, $0x1;
	s23 =	sadd.s32 $0x280, s6  }
0x13: {  	s24 =	sadd.s32 $0x100, s6;
	s26 =	sadd.s32 $0x180, s6;
	s6 =	simm.s32 $0x280  }
0x14: {  	s17 =	simm.s32 $0x0;
	[dreg:$0x5] =	wrdreg s10;
	s9 =	sshrl.u32 s9, $0x3  }
0x15: {  	s11 =	sadd.s32 s0, s11;
	[dreg:$0x11] =	wrdreg s8;
	s8 =	sshrl.u32 s23, $0x3  }
0x16: {  	s25 =	sshrl.u32 s24, $0x3;
	[dreg:$0x12] =	wrdreg s26;
	s24 =	simm.s32 $0x180  }
0x17: {  	s26 =	simm.s32 $0x280;
	s13 =	sadd.s32 s4, s9;
	s15 =	sadd.s32 s5, s9  }
0x18: {  	s16 =	sadd.s32 $0x10, s9;
	s9 =	sadd.s32 $0x20, s9;
	[dreg:$0x9] =	wrdreg s13  }
0x19: {  	s21 =	sadd.s32 $0x27000, s11;
	s23 =	sadd.s32 s25, s5;
	[dreg:$0xa] =	wrdreg s15  }
0x1a: {  	s11 =	simm.s32 $0xA;
	s13 =	sadd.s32 s4, s16;
	[dreg:$0x10] =	wrdreg s21  }
0x1b: {  	s10 =	sadd.s32 s5, s16;
	s18 =	sadd.s32 s4, s9;
	[dreg:$0xb] =	wrdreg s13  }
0x1c: {  	s9 =	sadd.s32 s5, s9;
	s15 =	simm.s32 $0xD;
	[dreg:$0xc] =	wrdreg s10  }
.Ltmp0:
0x1d: {  	s16 =	simm.s32 $0xB;
	[dreg:$0xd] =	wrdreg s18;
	(pc) =	sbr.rel .LBB2_1-.Ltmp0, $4  }
0x1e: {  	[dreg:$0xe] =	wrdreg s9;
	s9 =	sshrl.u32 s20, $0x3;
	s10 =	simm.s32 $0x2  }
0x1f: {  	s13 =	simm.s32 $0x3;
	s18 =	simm.s32 $0x5;
	s0 =	sadd.s32 s0, s9  }
0x20: {  	s9 =	simm.s32 $0x1;
	[dreg:$0xf] =	wrdreg s0;
	s0 =	sshrl.u32 s22, $0x3  }
0x21: {  	s22 =	sadd.s32 s8, s4;
	s20 =	sadd.s32 s0, s5;
	s21 =	sadd.s32 s0, s4  }
.LBB2_4:
0x22: {  	s0 =	simm.s32 $0x9  }
0x23: {  	_ =	swait.ge [sflag:s0], $0x80  }
0x24: {  	[sflag:s0] =	ssyncset.done $0x0  }
0x25: {  	s6 =	simm.s32 $0x280;
	[sflag:s0] =	ssyncadd.s32 $0xFFFFFF80  }
0x26: {  	[spmem:s2] =	stream.indirect.scatter.add.f32 [tilespmem:s7], [sflag:$0xC], $0x80, s6, s28, $0xb8;
	[tilespmem:$0x1FC00] =	vst v63  }
0x27: {  	_ =	swait.ge [sflag:s9], $0x4000  }
0x28: {  	[sflag:s9] =	ssyncset.done $0x0  }
0x29: {  	s14 =	simm.s32 $0x7;
	[sflag:s9] =	ssyncadd.s32 $0xFFFFC000  }
0x2a: {  	_ =	swait.ge [sflag:s14], $0x80  }
0x2b: {  	[sflag:s14] =	ssyncset.done $0x0  }
0x2c: {  	[sflag:s14] =	ssyncadd.s32 $0xFFFFFF80  }
0x2d: {  	[spmem:s2] =	stream.indirect.scatter.add.f32 [tilespmem:s29], [sflag:$0xA], $0x80, s24, s28, $0xb8;
	[tilespmem:$0x1FC00] =	vst v63  }
0x2e: {  	_ =	swait.ge [sflag:s16], $0x4000  }
0x2f: {  	[sflag:s16] =	ssyncset.done $0x0  }
0x30: {  	s15 =	simm.s32 $0xC;
	[sflag:s16] =	ssyncadd.s32 $0xFFFFC000  }
0x31: {  	_ =	swait.ge [sflag:s15], $0x4000  }
0x32: {  	[sflag:s15] =	ssyncset.done $0x0  }
0x33: {  	[sflag:s15] =	ssyncadd.s32 $0xFFFFC000  }
0x34: {  	_ =	swait.ge [sflag:s11], $0x4000  }
0x35: {  	[sflag:s11] =	ssyncset.done $0x0  }
0x36: {  	[sflag:s11] =	ssyncadd.s32 $0xFFFFC000  }
0x37: {  	[bflag:$0x0] =	sbarrier.arrive $0xFFFF  }
0x38: {  	s14 =	rddreg [dreg:$0x6]  }
0x39: {  	s17 =	rddreg [dreg:$0xf]  }
0x3a: {  	s15 =	simm.s32 $0xD;
	s8 =	rddreg [dreg:$0x14]  }
0x3b: {  	[hbm:s17], [sflag:s14] =	dma.local [spmem:s8], $0x2700  }
0x3c: {  	_ =	swait.ge [sflag:s15], $0x2700  }
0x3d: {  	[sflag:s15] =	ssyncset.done $0x0;
	s0 =	rddreg [dreg:$0x10]  }
0x3e: {  	s8 =	rddreg [dreg:$0x15];
	[sflag:s15] =	ssyncadd.s32 $0xFFFFD900  }
0x3f: {  	[hbm:s0], [sflag:s14] =	dma.local @!p0 [spmem:s8], $0x100  }
0x40: {  	s0 =	simm.s32 @!p0 $0xD  }
0x41: {  	_ =	swait.ge @!p0 [sflag:s0], $0x100  }
0x42: {  	s17 =	rddreg [dreg:$0x13]  }
0x43: {  	s25 =	rddreg [dreg:$0x11];
	s17 =	sadd.s32 $0x1, s17  }
0x44: {  	p1 =	sne.s32 s17, s25  }
.Ltmp1:
0x45: {  	_ = 	snop;
	(pc) =	sbr.rel @!p1 .LBB2_5-.Ltmp1, $3  }
0x46: {  	_ =	sdelay $0x1  }
0x47: {  	[sflag:s0] =	ssyncset.done @!p0 $0x0  }
0x48: {  	[sflag:s0] =	ssyncadd.s32 @!p0 $0xFFFFFF00  }
.LBB2_1:
0x49: {  	[dreg:$0x13] =	wrdreg s17  }
0x4a: {  	s0 =	rddreg [dreg:$0x4]  }
0x4b: {  	s25 =	rddreg [dreg:$0x5];
	s8 =	sshrl.u32 s0, $0x3  }
0x4c: {  	[dreg:$0x14] =	wrdreg s8  }
0x4d: {  	[spmem:s8], [sflag:s14] =	dma.local [hbm:s25], $0x2700  }
0x4e: {  	_ =	swait.ge [sflag:s15], $0x2700  }
0x4f: {  	s0 =	rddreg [dreg:$0x7]  }
0x50: {  	[sflag:s15] =	ssyncset.done $0x0;
	s8 =	sshrl.u32 @!p0 s0, $0x3;
	s0 =	rddreg [dreg:$0x8]  }
0x51: {  	[sflag:s15] =	ssyncadd.s32 $0xFFFFD900;
	[dreg:$0x15] =	wrdreg s8  }
0x52: {  	[spmem:s8], [sflag:s14] =	dma.local @!p0 [hbm:s0], $0x100  }
0x53: {  	s8 =	simm.s32 @!p0 $0xD  }
0x54: {  	_ =	swait.ge @!p0 [sflag:s8], $0x100  }
0x55: {  	[sflag:s8] =	ssyncset.done @!p0 $0x0  }
0x56: {  	[sflag:s8] =	ssyncadd.s32 @!p0 $0xFFFFFF00  }
0x57: {  	[bflag:$0x0] =	sbarrier.arrive $0xFFFF  }
0x58: {  	s17 =	rddreg [dreg:$0x9]  }
0x59: {  	[tilespmem:s3], [sflag:$0xD] =	stream.linear.gather [hbm4b:s17+s3], $0x80, $0x38;
	[tilespmem:$0x1FC00] =	vst v63  }
0x5a: {  	_ =	swait.ge [sflag:s15], $0x80  }
0x5b: {  	[sflag:s15] =	ssyncset.done $0x0  }
0x5c: {  	s25 =	rddreg [dreg:$0xa];
	[sflag:s15] =	ssyncadd.s32 $0xFFFFFF80  }
0x5d: {  	[tilespmem:s24], [sflag:$0xD] =	stream.linear.gather [hbm4b:s25+s3], $0x80, $0x38;
	[tilespmem:$0x1FC00] =	vst v63  }
0x5e: {  	_ =	swait.ge [sflag:s15], $0x80  }
0x5f: {  	[sflag:s15] =	ssyncset.done $0x0  }
0x60: {  	[sflag:s15] =	ssyncadd.s32 $0xFFFFFF80  }
0x61: {  	[tilespmem:s29], [sflag:$0x1] =	stream.indirect.gather [hbm4b:s1+s28], $0x80, s3, s28, $0xb8;
	[tilespmem:$0x1FC00] =	vst v63  }
0x62: {  	s8 =	rddreg [dreg:$0xb]  }
0x63: {  	[tilespmem:s28], [sflag:$0xD] =	stream.linear.gather [hbm4b:s8+s3], $0x80, $0x38;
	[tilespmem:$0x1FC00] =	vst v63  }
0x64: {  	_ =	swait.ge [sflag:s15], $0x80  }
0x65: {  	[sflag:s15] =	ssyncset.done $0x0  }
0x66: {  	s14 =	rddreg [dreg:$0xc];
	[sflag:s15] =	ssyncadd.s32 $0xFFFFFF80  }
0x67: {  	[tilespmem:s30], [sflag:$0xD] =	stream.linear.gather [hbm4b:s14+s3], $0x80, $0x38;
	[tilespmem:$0x1FC00] =	vst v63  }
0x68: {  	_ =	swait.ge [sflag:s15], $0x80  }
0x69: {  	[sflag:s15] =	ssyncset.done $0x0  }
0x6a: {  	[sflag:s15] =	ssyncadd.s32 $0xFFFFFF80  }
0x6b: {  	[tilespmem:s31], [sflag:$0x2] =	stream.indirect.gather [hbm4b:s1+s28], $0x80, s28, s28, $0xb8;
	[tilespmem:$0x1FC00] =	vst v63  }
0x6c: {  	s24 =	simm.s32 $0x100;
	s17 =	rddreg [dreg:$0xd]  }
0x6d: {  	[tilespmem:s24], [sflag:$0xD] =	stream.linear.gather [hbm4b:s17+s3], $0x80, $0x38;
	[tilespmem:$0x1FC00] =	vst v63  }
0x6e: {  	_ =	swait.ge [sflag:s15], $0x80  }
0x6f: {  	[sflag:s15] =	ssyncset.done $0x0  }
0x70: {  	s25 =	rddreg [dreg:$0xe];
	[sflag:s15] =	ssyncadd.s32 $0xFFFFFF80  }
0x71: {  	[tilespmem:s6], [sflag:$0xD] =	stream.linear.gather [hbm4b:s25+s3], $0x80, $0x38;
	[tilespmem:$0x1FC00] =	vst v63  }
0x72: {  	_ =	swait.ge [sflag:s15], $0x80  }
0x73: {  	s8 =	simm.s32 $0x0;
	[sflag:s15] =	ssyncset.done $0x0  }
0x74: {  	s6 =	simm.s32 $0x100;
	s17 =	rddreg [dreg:$0x12];
	[sflag:s15] =	ssyncadd.s32 $0xFFFFFF80  }
0x75: {  	[tilespmem:s7], [sflag:$0x3] =	stream.indirect.gather [hbm4b:s1+s28], $0x80, s24, s28, $0xb8;
	[tilespmem:$0x1FC00] =	vst v63  }
.LBB2_2:
0x76: {  	_ =	swait.ge [sflag:s9], $0x4000  }
0x77: {  	s14 =	sshrl.u32 s17, $0x3;
	[sflag:s9] =	ssyncset.done $0x0  }
0x78: {  	p1 =	sne.s32 s8, $0x0;
	s15 =	sadd.s32 s4, s14;
	[sflag:s9] =	ssyncadd.s32 $0xFFFFC000  }
0x79: {  	[tilespmem:s3], [sflag:$0x4] =	stream.linear.gather [hbm4b:s15+s3], $0x80, $0x38;
	[tilespmem:$0x1FC00] =	vst v63  }
0x7a: {  	s15 =	simm.s32 @p1 $0x7  }
0x7b: {  	_ =	swait.ge @p1 [sflag:s15], $0x80  }
0x7c: {  	s24 =	simm.s32 @p1 $0x180;
	[sflag:s15] =	ssyncset.done @p1 $0x0  }
0x7d: {  	s25 =	simm.s32 @p1 $0x300;
	[sflag:s15] =	ssyncadd.s32 @p1 $0xFFFFFF80;
	s15 =	simm.s32 @p1 $0x80  }
0x7e: {  	[spmem:s2] =	stream.indirect.scatter.add.f32 @p1 [tilespmem:s25], [sflag:$0xA], $0x80, s24, s15, $0xb8;
	[tilespmem:$0x1FC00] =	vst v63  }
0x7f: {  	s24 =	simm.s32 @p1 $0xC  }
0x80: {  	_ =	swait.ge @p1 [sflag:s24], $0x4000  }
0x81: {  	s0 =	simm.s32 @p1 $0x280;
	[sflag:s24] =	ssyncset.done @p1 $0x0  }
0x82: {  	s25 =	simm.s32 @p1 $0x0;
	[sflag:s24] =	ssyncadd.s32 @p1 $0xFFFFC000;
	s24 =	sadd.s32 @p1 s8, s23  }
0x83: {  	[tilespmem:s0], [sflag:$0x9] =	stream.linear.gather @p1 [hbm4b:s24+s25], $0x80, $0x38;
	[tilespmem:$0x1FC00] =	vst v63  }
0x84: {  	s0 =	simm.s32 @p1 $0x6  }
0x85: {  	_ =	swait.ge @p1 [sflag:s0], $0x80  }
0x86: {  	[sflag:s0] =	ssyncset.done @p1 $0x0  }
0x87: {  	s24 =	simm.s32 @p1 $0x8300;
	[sflag:s0] =	ssyncadd.s32 @p1 $0xFFFFFF80;
	s0 =	simm.s32 @p1 $0x100  }
0x88: {  	[tilespmem:s24], [sflag:$0x3] =	stream.indirect.gather @p1 [hbm4b:s1+s15], $0x80, s0, s15, $0xb8;
	[tilespmem:$0x1FC00] =	vst v63  }
0x89: {  	s0 =	simm.s32 @!p1 $0x80;
	s15 =	simm.s32 @!p1 $0x180;
	s24 =	simm.s32 @!p1 $0x300  }
0x8a: {  	[spmem:s2] =	stream.indirect.scatter.add.f32 @!p1 [tilespmem:s24], [sflag:$0xA], $0x80, s15, s0, $0xb8;
	[tilespmem:$0x1FC00] =	vst v63  }
0x8b: {  	p1 =	seq.s32 s8, $0x4B0  }
0x8c: {  	_ =	swait.ge [sflag:s10], $0x4000;
	p2 =	seq.s32 @!p1 s8, $0x0  }
0x8d: {  	s0 =	sadd.s32 @!p1 s8, s21;
	s15 =	simm.s32 @!p1 $0x0;
	[sflag:s10] =	ssyncset.done $0x0  }
0x8e: {  	s24 =	simm.s32 @!p1 $0x80;
	p2 =	por p1, !p2;
	[sflag:s10] =	ssyncadd.s32 $0xFFFFC000  }
0x8f: {  	[tilespmem:s24], [sflag:$0x5] =	stream.linear.gather @!p1 [hbm4b:s0+s15], $0x80, $0x38;
	[tilespmem:$0x1FC00] =	vst v63  }
0x90: {  	_ =	swait.ge @p2 [sflag:s19], $0x80  }
0x91: {  	[sflag:s19] =	ssyncset.done @p2 $0x0  }
0x92: {  	[sflag:s19] =	ssyncadd.s32 @p2 $0xFFFFFF80  }
0x93: {  	[spmem:s2] =	stream.indirect.scatter.add.f32 [tilespmem:s31], [sflag:$0xB], $0x80, s30, s28, $0xb8;
	[tilespmem:$0x1FC00] =	vst v63  }
0x94: {  	_ =	swait.ge [sflag:s11], $0x4000  }
0x95: {  	[sflag:s11] =	ssyncset.done $0x0  }
0x96: {  	s25 =	sadd.s32 s5, s14;
	s24 =	simm.s32 $0x180;
	[sflag:s11] =	ssyncadd.s32 $0xFFFFC000  }
0x97: {  	[tilespmem:s24], [sflag:$0x7] =	stream.linear.gather [hbm4b:s25+s3], $0x80, $0x38;
	[tilespmem:$0x1FC00] =	vst v63  }
0x98: {  	_ =	swait.ge [sflag:s12], $0x80  }
0x99: {  	[sflag:s12] =	ssyncset.done $0x0  }
.Ltmp2:
0x9a: {  	[sflag:s12] =	ssyncadd.s32 $0xFFFFFF80;
	(pc) =	sbr.rel @p1 .LBB2_4-.Ltmp2, $4  }
0x9b: {  	[tilespmem:s29], [sflag:$0x1] =	stream.indirect.gather [hbm4b:s1+s28], $0x80, s3, s28, $0xb8;
	[tilespmem:$0x1FC00] =	vst v63  }
0x9c: {  	_ =	swait.ge [sflag:s13], $0x4000  }
0x9d: {  	[sflag:s13] =	ssyncset.done $0x0  }
0x9e: {  	[sflag:s13] =	ssyncadd.s32 $0xFFFFC000  }
0x9f: {  	p1 =	seq.s32 s8, $0x0;
	s0 =	sadd.s32 s8, s22  }
0xa0: {  	[tilespmem:s6], [sflag:$0x6] =	stream.linear.gather [hbm4b:s0+s3], $0x80, $0x38;
	[tilespmem:$0x1FC00] =	vst v63  }
0xa1: {  	s0 =	simm.s32 @!p1 $0x9  }
0xa2: {  	_ =	swait.ge @!p1 [sflag:s0], $0x80  }
0xa3: {  	[sflag:s0] =	ssyncset.done @!p1 $0x0  }
0xa4: {  	[sflag:s0] =	ssyncadd.s32 @!p1 $0xFFFFFF80  }
0xa5: {  	[spmem:s2] =	stream.indirect.scatter.add.f32 [tilespmem:s7], [sflag:$0xC], $0x80, s26, s28, $0xb8;
	[tilespmem:$0x1FC00] =	vst v63  }
0xa6: {  	_ =	swait.ge [sflag:s16], $0x4000  }
0xa7: {  	[sflag:s16] =	ssyncset.done $0x0  }
0xa8: {  	s25 =	sadd.s32 s8, s20;
	[sflag:s16] =	ssyncadd.s32 $0xFFFFC000  }
0xa9: {  	[tilespmem:s30], [sflag:$0x8] =	stream.linear.gather [hbm4b:s25+s3], $0x80, $0x38;
	[tilespmem:$0x1FC00] =	vst v63  }
.Ltmp3:
0xaa: {  	_ = 	snop;
	(pc) =	sbr.rel .LBB2_2-.Ltmp3, $4  }
0xab: {  	_ =	swait.ge [sflag:s18], $0x80  }
0xac: {  	[sflag:s18] =	ssyncset.done $0x0  }
0xad: {  	s8 =	sadd.s32 $0x30, s8;
	s17 =	sadd.s32 $0x180, s17;
	[sflag:s18] =	ssyncadd.s32 $0xFFFFFF80  }
0xae: {  	[tilespmem:s31], [sflag:$0x2] =	stream.indirect.gather [hbm4b:s1+s28], $0x80, s28, s28, $0xb8;
	[tilespmem:$0x1FC00] =	vst v63  }
.LBB2_5:
0xaf: {  	_ =	sfence.sel $0x180000  }
0xb0: {  	[bflag:$0x0] =	sbarrier.arrive $0xFFFF  }
0xb1: {  	_ =	strace $0x90000047  }
0xb2: {  	[bflag:$0x2] =	sbarrier.arrive $0xFFFF  }
0xb3: {  	s0 =	rddreg [dreg:$0x3]  }
0xb4: {  	s0 =	sadd.s32 @!p0 $0x100000, s0  }
0xb5: {  	[sflag:s0] =	ssyncadd.tile.s32 @!p0 $0x1;
	_ =	shalt  }
.Lfunc_end2:
_tile_overlayer_lowered:
.L_overlay_start_2:
0xb6: {  	(tag) =	ssettag $0x2  }
0xb7: {  	s0 =	rddreg [dreg:$0x0];
	s2 =	stileid.u32  }
0xb8: {  	s1 =	rddreg [dreg:$0x1];
	p0 =	sne.s32 s2, $0x0  }
0xb9: {  	s3 =	rddreg [dreg:$0x2];
	[bflag:$0x3] =	sbarrier.arrive $0xFFFF;
	s2 =	simm.s32 @!p0 $0x1C0D  }
0xba: {  	[timem:s3], [sflag:s2] =	dma.local @!p0 [hbm:s0], s1  }
0xbb: {  	s0 =	simm.s32 @!p0 $0xD  }
0xbc: {  	_ =	swait.ge @!p0 [sflag:s0], s1  }
0xbd: {  	s1 =	ssub.s32 @!p0 $0x0, s1;
	[sflag:s0] =	ssyncset.done @!p0 $0x0  }
0xbe: {  	[sflag:s0] =	ssyncadd.s32 @!p0 s1  }
0xbf: {  	[bflag:$0x3] =	sbarrier.arrive $0xFFFF  }
0xc0: {  	_ =	shalt  }

</sc_bundles>
